<compile_context>
chip_gen: v7x
topology: tpu7x:2x2x1
jax: 0.10.2.dev20260603
libtpu: 0.0.44.dev20260713+nightly
codegen_flags: <defaults>
</compile_context>

<pallas_src>
import functools

import jax
import jax.numpy as jnp
from jax import lax
from jax.experimental import pallas as pl
from jax.experimental.pallas import tpu as pltpu
from jax.experimental.pallas import tpu_sc as plsc

N_NODES = 10000
D_FEAT = 128
DH = 64
DS = 80
N_PAD = 10016
NC, NS = 2, 16
CHUNK = 125
NCHUNK = 160
assert NS * NCHUNK * CHUNK == 320000
NG = 4
ROWS_PER_TILE = N_PAD // NS



def _sc_aggregate(x_bf, src4, dst3):
  mesh = plsc.VectorSubcoreMesh(
      core_axis_name="c", subcore_axis_name="s", num_cores=NC, num_subcores=NS)

  @functools.partial(
      pl.kernel,
      out_type=jax.ShapeDtypeStruct((NC, N_PAD, DS), jnp.float32),
      mesh=mesh,
      compiler_params=pltpu.CompilerParams(
          use_tc_tiling_on_sc=False, needs_layout_passes=False),
      scratch_types=[
          pltpu.VMEM((NCHUNK, CHUNK), jnp.int32),
          pltpu.VMEM((NCHUNK, CHUNK), jnp.int32),
          [pltpu.VMEM((CHUNK, DH), jnp.bfloat16)] * NG,
          [pltpu.VMEM((CHUNK, DS), jnp.float32)] * 2,
          pltpu.VMEM_SHARED((N_PAD, DS), jnp.float32),
          [pltpu.SemaphoreType.DMA] * NG,
          [pltpu.SemaphoreType.DMA] * 2,
      ],
  )
  def k(x_hbm, src_hbm, dst_hbm, out_hbm,
        src_v, dst_v, gbuf, sbuf, acc, gsem, ssem):
    c = lax.axis_index("c")
    s = lax.axis_index("s")

    pltpu.sync_copy(src_hbm.at[c * NS + s], src_v)
    pltpu.sync_copy(dst_hbm.at[s], dst_v)
    for b in range(NG):
      pltpu.async_copy(x_hbm.at[src_v.at[b]], gbuf[b], gsem[b])

    def zero_row(r, _):
      for kk in range(DS // 16):
        sbuf[0][r, pl.ds(kk * 16, 16)] = jnp.zeros((16,), jnp.float32)
      return 0
    lax.fori_loop(0, CHUNK, zero_row, 0)
    base = s * ROWS_PER_TILE
    for i in range(ROWS_PER_TILE // CHUNK):
      pltpu.sync_copy(sbuf[0], acc.at[pl.ds(base + i * CHUNK, CHUNK)])
    rem = ROWS_PER_TILE % CHUNK
    if rem:
      pltpu.sync_copy(sbuf[0].at[pl.ds(0, rem)],
                      acc.at[pl.ds(base + ROWS_PER_TILE - rem, rem)])

    one0 = jnp.where(lax.iota(jnp.int32, 16) == 0, 1.0, 0.0).astype(jnp.float32)

    def ones_row(r, _):
      for sb in range(2):
        sbuf[sb][r, pl.ds(DH, 16)] = one0
      return 0
    lax.fori_loop(0, CHUNK, ones_row, 0)

    plsc.subcore_barrier()


    def unpack_chunk(b, sb):
      def rows5(r5, _):
        for dr in range(5):
          r = r5 * 5 + dr
          for g in range(DH // 32):
            lo, hi = plsc.unpack(gbuf[b][r, pl.ds(32 * g, 32)],
                                 format=plsc.PackFormat.INTERLEAVED)
            sbuf[sb][r, pl.ds(32 * g, 16)] = lo
            sbuf[sb][r, pl.ds(32 * g + 16, 16)] = hi
        return 0
      lax.fori_loop(0, CHUNK // 5, rows5, 0)

    def body(grp, _):
      for b in range(NG):
        j = grp * NG + b
        sb = b % 2
        pltpu.make_async_copy(x_hbm.at[src_v.at[j]], gbuf[b], gsem[b]).wait()

        @pl.when(j >= 2)
        def _():
          pltpu.make_async_copy(
              sbuf[sb], acc.at[dst_v.at[j - 2]], ssem[sb]).wait()

        unpack_chunk(b, sb)
        pltpu.async_copy(sbuf[sb], acc.at[dst_v.at[j]], ssem[sb], add=True)

        @pl.when(j + NG < NCHUNK)
        def _():
          pltpu.async_copy(x_hbm.at[src_v.at[j + NG]], gbuf[b], gsem[b])

      return 0

    lax.fori_loop(0, NCHUNK // NG, body, 0)
    for sb in range(2):
      pltpu.make_async_copy(
          sbuf[sb], acc.at[dst_v.at[NCHUNK - 2 + sb]], ssem[sb]).wait()

    plsc.subcore_barrier()
    pltpu.sync_copy(acc.at[pl.ds(base, ROWS_PER_TILE)],
                    out_hbm.at[c, pl.ds(base, ROWS_PER_TILE)])

  return k(x_bf, src4, dst3)


def _tc_head(agg, W_mp, b_mp, W1, b1, W2, b2):
  BLK = 2000
  grid = N_NODES // BLK

  def body(a0_ref, a1_ref, wmp_ref, bmp_ref, w1_ref, b1_ref, w2_ref, b2_ref, out_ref):
    a0 = a0_ref[0]
    a1 = a1_ref[0]
    deg = jnp.maximum(jnp.sum(a0[:, DH:], axis=1, keepdims=True), 1.0)
    m = (jnp.dot(a0[:, :DH], wmp_ref[:DH, :], preferred_element_type=jnp.float32)
         + jnp.dot(a1[:, :DH], wmp_ref[DH:, :],
                   preferred_element_type=jnp.float32))
    h = jnp.maximum(m / deg + bmp_ref[...], 0.0)
    h = jnp.maximum(
        jnp.dot(h, w1_ref[...], preferred_element_type=jnp.float32)
        + b1_ref[...], 0.0)
    out_ref[...] = (
        jnp.dot(h, w2_ref[...], preferred_element_type=jnp.float32)
        + b2_ref[...])

  full = lambda shape: pl.BlockSpec(shape, lambda i: (0, 0))
  return pl.pallas_call(
      body,
      grid=(grid,),
      in_specs=[
          pl.BlockSpec((1, BLK, DS), lambda i: (0, i, 0)),
          pl.BlockSpec((1, BLK, DS), lambda i: (1, i, 0)),
          full((D_FEAT, D_FEAT)),
          full((1, D_FEAT)),
          full((D_FEAT, 256)),
          full((1, 256)),
          full((256, D_FEAT)),
          full((1, D_FEAT)),
      ],
      out_specs=pl.BlockSpec((BLK, D_FEAT), lambda i: (i, 0)),
      out_shape=jax.ShapeDtypeStruct((N_NODES, D_FEAT), jnp.float32),
  )(agg, agg, W_mp, b_mp, W1, b1, W2, b2)


@jax.jit
def kernel(features, edge_index, W_mp, b_mp, W1, b1, W2, b2):
  src = edge_index[0].astype(jnp.int32)
  dst = edge_index[1].astype(jnp.int32)
  src4 = jnp.concatenate([src, src + N_NODES]).reshape(NC * NS, NCHUNK, CHUNK)
  dst3 = dst.reshape(NS, NCHUNK, CHUNK)
  halves = features.reshape(N_NODES, 2, DH).transpose(1, 0, 2)
  x_bf = (halves.reshape(2 * N_NODES, DH // 32, 2, 16)
          .transpose(0, 1, 3, 2)
          .reshape(2 * N_NODES, DH)
          .astype(jnp.bfloat16))

  agg = _sc_aggregate(x_bf, src4, dst3)
  return _tc_head(agg, W_mp, b_mp.reshape(1, -1), W1, b1.reshape(1, -1),
                  W2, b2.reshape(1, -1))

# --- scband reference (transcript-rebuilt; emitter-appended) ---
"""Pipeline reference for scband-mol-gdl-25254407700943 (READ-ONLY COPY).

The authoritative reference and input builder live on the scoring server;
editing this copy changes nothing except your own understanding.
"""

import jax, jax.numpy as jnp
import numpy as np

N_NODES = 10000
N_EDGES = 320000
D_FEAT = 128
D_HIDDEN = 256


def setup_inputs(seed: int = 0) -> dict:
    key = jax.random.key(seed)
    k_feat, k_edge, k_wmp, k_bmp, k_w1, k_b1, k_w2, k_b2 = jax.random.split(key, 8)
    features = jax.random.normal(k_feat, (N_NODES, D_FEAT), dtype=jnp.float32)
    edge_index = jax.random.randint(k_edge, (2, N_EDGES), 0, N_NODES, dtype=jnp.int64)
    # Learned parameters: message-passing transform + 2-layer GNN head
    W_mp = jax.random.normal(k_wmp, (D_FEAT, D_FEAT), dtype=jnp.float32) * 0.05
    b_mp = jnp.zeros((D_FEAT,), dtype=jnp.float32)
    W1 = jax.random.normal(k_w1, (D_FEAT, D_HIDDEN), dtype=jnp.float32) * 0.05
    b1 = jnp.zeros((D_HIDDEN,), dtype=jnp.float32)
    W2 = jax.random.normal(k_w2, (D_HIDDEN, D_FEAT), dtype=jnp.float32) * 0.05
    b2 = jnp.zeros((D_FEAT,), dtype=jnp.float32)
    return {"features": features, "edge_index": edge_index, "W_mp": W_mp, "b_mp": b_mp, "W1": W1, "b1": b1, "W2": W2, "b2": b2}


def reference(features, edge_index, W_mp, b_mp, W1, b1, W2, b2):
    # message_passing.forward: gather neighbor features, mean-aggregate by dst node,
    # then learned linear transform + ReLU (adjacency-normalized propagation A_hat @ X @ W)
    src = edge_index[0]
    dst = edge_index[1]
    msgs = jnp.take(features, src, axis=0)                        # gather [E, d]
    agg = jax.ops.segment_sum(msgs, dst, num_segments=N_NODES)    # scatter-add [N, d]
    deg = jax.ops.segment_sum(jnp.ones((msgs.shape[0],), dtype=features.dtype), dst, num_segments=N_NODES)
    deg = jnp.clip(deg, 1.0, None)
    h = agg / deg[:, None]
    h = jax.nn.relu(h @ W_mp + b_mp)
    # GNN.forward: 2-layer MLP head over node features
    h = jax.nn.relu(h @ W1 + b1)
    out = h @ W2 + b2
    return out

if __name__ == "__main__":
    import jax
    _d = setup_inputs()
    print(jax.jit(kernel)(*tuple(_d.values())))

</pallas_src>

<mosaic_0001>
#map = affine_map<(d0, d1) -> (0, 0)>
#map1 = affine_map<(d0, d1) -> (0, 0, 0)>
module attributes {stable_mosaic.version = 14 : i64} {
  func.func @k(%arg0: i32, %arg1: i32, %arg2: memref<20000x64xbf16, #tpu.memory_space<hbm>>, %arg3: memref<32x160x125xi32, #tpu.memory_space<hbm>>, %arg4: memref<16x160x125xi32, #tpu.memory_space<hbm>>, %arg5: memref<2x10016x80xf32, #tpu.memory_space<hbm>>, %arg6: memref<160x125xi32, #tpu.memory_space<vmem>>, %arg7: memref<160x125xi32, #tpu.memory_space<vmem>>, %arg8: memref<125x64xbf16, #tpu.memory_space<vmem>>, %arg9: memref<125x64xbf16, #tpu.memory_space<vmem>>, %arg10: memref<125x64xbf16, #tpu.memory_space<vmem>>, %arg11: memref<125x64xbf16, #tpu.memory_space<vmem>>, %arg12: memref<125x80xf32, #tpu.memory_space<vmem>>, %arg13: memref<125x80xf32, #tpu.memory_space<vmem>>, %arg14: memref<10016x80xf32, #tpu.memory_space<vmem_shared>>, %arg15: memref<!tpu.dma_semaphore, #tpu.memory_space<semaphore_mem>>, %arg16: memref<!tpu.dma_semaphore, #tpu.memory_space<semaphore_mem>>, %arg17: memref<!tpu.dma_semaphore, #tpu.memory_space<semaphore_mem>>, %arg18: memref<!tpu.dma_semaphore, #tpu.memory_space<semaphore_mem>>, %arg19: memref<!tpu.dma_semaphore, #tpu.memory_space<semaphore_mem>>, %arg20: memref<!tpu.dma_semaphore, #tpu.memory_space<semaphore_mem>>) attributes {dimension_semantics = [#tpu.dimension_semantics<core_parallel>, #tpu.dimension_semantics<subcore_parallel>], iteration_bounds = array<i64: 2, 16>, scalar_prefetch = 0 : i64, scratch_operands = 15 : i64, tpu.core_type = #tpu.core_type<sc_vector_subcore>, window_params = [{transform_indices = #map}, {transform_indices = #map1}, {transform_indices = #map1}, {transform_indices = #map1}]} {
    %mul3A = arith.constant 16 : i32
    %mul3A_0 = arith.muli %arg0, %mul3A : i32
    %add3A = arith.addi %mul3A_0, %arg1 : i32
    "tpu.region"() ({
      %run_scoped3A = tpu.sem_alloc : memref<!tpu.dma_semaphore, #tpu.memory_space<semaphore_mem>>
      %dma_start3A_81 = arith.constant 0 : i32
      %dma_start3A_82 = arith.constant 0 : i32
      %dma_start3A_83 = tpu.memref_slice %arg3[%add3A, %dma_start3A_81, %dma_start3A_82] : memref<32x160x125xi32, #tpu.memory_space<hbm>> -> memref<1x160x125xi32, #tpu.memory_space<hbm>>
      %dma_start3A_84 = tpu.memref_squeeze %dma_start3A_83 : memref<1x160x125xi32, #tpu.memory_space<hbm>> -> memref<160x125xi32, #tpu.memory_space<hbm>>
      %dma_start3A_85 = arith.constant 0 : i32
      %dma_start3A_86 = arith.constant 0 : i32
      %dma_start3A_87 = tpu.memref_slice %arg3[%add3A, %dma_start3A_85, %dma_start3A_86] : memref<32x160x125xi32, #tpu.memory_space<hbm>> -> memref<1x160x125xi32, #tpu.memory_space<hbm>>
      %dma_start3A_88 = tpu.memref_squeeze %dma_start3A_87 : memref<1x160x125xi32, #tpu.memory_space<hbm>> -> memref<160x125xi32, #tpu.memory_space<hbm>>
      tpu.enqueue_dma source(%dma_start3A_88 : memref<160x125xi32, #tpu.memory_space<hbm>>) target(%arg6 : memref<160x125xi32, #tpu.memory_space<vmem>>) target_semaphore(%run_scoped3A : memref<!tpu.dma_semaphore, #tpu.memory_space<semaphore_mem>>)
      %dma_wait3A_89 = arith.constant 0 : i32
      %dma_wait3A_90 = arith.constant 0 : i32
      %dma_wait3A_91 = tpu.memref_slice %arg3[%add3A, %dma_wait3A_89, %dma_wait3A_90] : memref<32x160x125xi32, #tpu.memory_space<hbm>> -> memref<1x160x125xi32, #tpu.memory_space<hbm>>
      %dma_wait3A_92 = tpu.memref_squeeze %dma_wait3A_91 : memref<1x160x125xi32, #tpu.memory_space<hbm>> -> memref<160x125xi32, #tpu.memory_space<hbm>>
      %dma_wait3A_93 = arith.constant 0 : i32
      %dma_wait3A_94 = arith.constant 0 : i32
      %dma_wait3A_95 = tpu.memref_slice %arg3[%add3A, %dma_wait3A_93, %dma_wait3A_94] : memref<32x160x125xi32, #tpu.memory_space<hbm>> -> memref<1x160x125xi32, #tpu.memory_space<hbm>>
      %dma_wait3A_96 = tpu.memref_squeeze %dma_wait3A_95 : memref<1x160x125xi32, #tpu.memory_space<hbm>> -> memref<160x125xi32, #tpu.memory_space<hbm>>
      tpu.wait_dma2 semaphore(%run_scoped3A : memref<!tpu.dma_semaphore, #tpu.memory_space<semaphore_mem>>) src(%dma_wait3A_96 : memref<160x125xi32, #tpu.memory_space<hbm>>) dst(%arg6 : memref<160x125xi32, #tpu.memory_space<vmem>>)
      tpu.yield
    }) : () -> ()
    "tpu.region"() ({
      %run_scoped3A = tpu.sem_alloc : memref<!tpu.dma_semaphore, #tpu.memory_space<semaphore_mem>>
      %dma_start3A_81 = arith.constant 0 : i32
      %dma_start3A_82 = arith.constant 0 : i32
      %dma_start3A_83 = tpu.memref_slice %arg4[%arg1, %dma_start3A_81, %dma_start3A_82] : memref<16x160x125xi32, #tpu.memory_space<hbm>> -> memref<1x160x125xi32, #tpu.memory_space<hbm>>
      %dma_start3A_84 = tpu.memref_squeeze %dma_start3A_83 : memref<1x160x125xi32, #tpu.memory_space<hbm>> -> memref<160x125xi32, #tpu.memory_space<hbm>>
      %dma_start3A_85 = arith.constant 0 : i32
      %dma_start3A_86 = arith.constant 0 : i32
      %dma_start3A_87 = tpu.memref_slice %arg4[%arg1, %dma_start3A_85, %dma_start3A_86] : memref<16x160x125xi32, #tpu.memory_space<hbm>> -> memref<1x160x125xi32, #tpu.memory_space<hbm>>
      %dma_start3A_88 = tpu.memref_squeeze %dma_start3A_87 : memref<1x160x125xi32, #tpu.memory_space<hbm>> -> memref<160x125xi32, #tpu.memory_space<hbm>>
      tpu.enqueue_dma source(%dma_start3A_88 : memref<160x125xi32, #tpu.memory_space<hbm>>) target(%arg7 : memref<160x125xi32, #tpu.memory_space<vmem>>) target_semaphore(%run_scoped3A : memref<!tpu.dma_semaphore, #tpu.memory_space<semaphore_mem>>)
      %dma_wait3A_89 = arith.constant 0 : i32
      %dma_wait3A_90 = arith.constant 0 : i32
      %dma_wait3A_91 = tpu.memref_slice %arg4[%arg1, %dma_wait3A_89, %dma_wait3A_90] : memref<16x160x125xi32, #tpu.memory_space<hbm>> -> memref<1x160x125xi32, #tpu.memory_space<hbm>>
      %dma_wait3A_92 = tpu.memref_squeeze %dma_wait3A_91 : memref<1x160x125xi32, #tpu.memory_space<hbm>> -> memref<160x125xi32, #tpu.memory_space<hbm>>
      %dma_wait3A_93 = arith.constant 0 : i32
      %dma_wait3A_94 = arith.constant 0 : i32
      %dma_wait3A_95 = tpu.memref_slice %arg4[%arg1, %dma_wait3A_93, %dma_wait3A_94] : memref<16x160x125xi32, #tpu.memory_space<hbm>> -> memref<1x160x125xi32, #tpu.memory_space<hbm>>
      %dma_wait3A_96 = tpu.memref_squeeze %dma_wait3A_95 : memref<1x160x125xi32, #tpu.memory_space<hbm>> -> memref<160x125xi32, #tpu.memory_space<hbm>>
      tpu.wait_dma2 semaphore(%run_scoped3A : memref<!tpu.dma_semaphore, #tpu.memory_space<semaphore_mem>>) src(%dma_wait3A_96 : memref<160x125xi32, #tpu.memory_space<hbm>>) dst(%arg7 : memref<160x125xi32, #tpu.memory_space<vmem>>)
      tpu.yield
    }) : () -> ()
    %dma_start3A = arith.constant 0 : i32
    %dma_start3A_1 = arith.constant 0 : i32
    %dma_start3A_2 = tpu.memref_slice %arg6[%dma_start3A, %dma_start3A_1] : memref<160x125xi32, #tpu.memory_space<vmem>> -> memref<1x125xi32, #tpu.memory_space<vmem>>
    %dma_start3A_3 = tpu.memref_squeeze %dma_start3A_2 : memref<1x125xi32, #tpu.memory_space<vmem>> -> memref<125xi32, #tpu.memory_space<vmem>>
    %dma_start3A_4 = arith.constant 0 : i32
    %dma_start3A_5 = arith.constant 0 : i32
    %dma_start3A_6 = tpu.memref_slice %arg2[%dma_start3A_4, %dma_start3A_5] : memref<20000x64xbf16, #tpu.memory_space<hbm>> -> memref<20000x64xbf16, #tpu.memory_space<hbm>>
    tpu.enqueue_indirect_dma source(%dma_start3A_6 : memref<20000x64xbf16, #tpu.memory_space<hbm>>) target(%arg8 : memref<125x64xbf16, #tpu.memory_space<vmem>>) offsets(%dma_start3A_3 : memref<125xi32, #tpu.memory_space<vmem>>) semaphore(%arg15 : memref<!tpu.dma_semaphore, #tpu.memory_space<semaphore_mem>>)
    %dma_start3A_7 = arith.constant 1 : i32
    %dma_start3A_8 = arith.constant 0 : i32
    %dma_start3A_9 = tpu.memref_slice %arg6[%dma_start3A_7, %dma_start3A_8] : memref<160x125xi32, #tpu.memory_space<vmem>> -> memref<1x125xi32, #tpu.memory_space<vmem>>
    %dma_start3A_10 = tpu.memref_squeeze %dma_start3A_9 : memref<1x125xi32, #tpu.memory_space<vmem>> -> memref<125xi32, #tpu.memory_space<vmem>>
    %dma_start3A_11 = arith.constant 0 : i32
    %dma_start3A_12 = arith.constant 0 : i32
    %dma_start3A_13 = tpu.memref_slice %arg2[%dma_start3A_11, %dma_start3A_12] : memref<20000x64xbf16, #tpu.memory_space<hbm>> -> memref<20000x64xbf16, #tpu.memory_space<hbm>>
    tpu.enqueue_indirect_dma source(%dma_start3A_13 : memref<20000x64xbf16, #tpu.memory_space<hbm>>) target(%arg9 : memref<125x64xbf16, #tpu.memory_space<vmem>>) offsets(%dma_start3A_10 : memref<125xi32, #tpu.memory_space<vmem>>) semaphore(%arg16 : memref<!tpu.dma_semaphore, #tpu.memory_space<semaphore_mem>>)
    %dma_start3A_14 = arith.constant 2 : i32
    %dma_start3A_15 = arith.constant 0 : i32
    %dma_start3A_16 = tpu.memref_slice %arg6[%dma_start3A_14, %dma_start3A_15] : memref<160x125xi32, #tpu.memory_space<vmem>> -> memref<1x125xi32, #tpu.memory_space<vmem>>
    %dma_start3A_17 = tpu.memref_squeeze %dma_start3A_16 : memref<1x125xi32, #tpu.memory_space<vmem>> -> memref<125xi32, #tpu.memory_space<vmem>>
    %dma_start3A_18 = arith.constant 0 : i32
    %dma_start3A_19 = arith.constant 0 : i32
    %dma_start3A_20 = tpu.memref_slice %arg2[%dma_start3A_18, %dma_start3A_19] : memref<20000x64xbf16, #tpu.memory_space<hbm>> -> memref<20000x64xbf16, #tpu.memory_space<hbm>>
    tpu.enqueue_indirect_dma source(%dma_start3A_20 : memref<20000x64xbf16, #tpu.memory_space<hbm>>) target(%arg10 : memref<125x64xbf16, #tpu.memory_space<vmem>>) offsets(%dma_start3A_17 : memref<125xi32, #tpu.memory_space<vmem>>) semaphore(%arg17 : memref<!tpu.dma_semaphore, #tpu.memory_space<semaphore_mem>>)
    %dma_start3A_21 = arith.constant 3 : i32
    %dma_start3A_22 = arith.constant 0 : i32
    %dma_start3A_23 = tpu.memref_slice %arg6[%dma_start3A_21, %dma_start3A_22] : memref<160x125xi32, #tpu.memory_space<vmem>> -> memref<1x125xi32, #tpu.memory_space<vmem>>
    %dma_start3A_24 = tpu.memref_squeeze %dma_start3A_23 : memref<1x125xi32, #tpu.memory_space<vmem>> -> memref<125xi32, #tpu.memory_space<vmem>>
    %dma_start3A_25 = arith.constant 0 : i32
    %dma_start3A_26 = arith.constant 0 : i32
    %dma_start3A_27 = tpu.memref_slice %arg2[%dma_start3A_25, %dma_start3A_26] : memref<20000x64xbf16, #tpu.memory_space<hbm>> -> memref<20000x64xbf16, #tpu.memory_space<hbm>>
    tpu.enqueue_indirect_dma source(%dma_start3A_27 : memref<20000x64xbf16, #tpu.memory_space<hbm>>) target(%arg11 : memref<125x64xbf16, #tpu.memory_space<vmem>>) offsets(%dma_start3A_24 : memref<125xi32, #tpu.memory_space<vmem>>) semaphore(%arg18 : memref<!tpu.dma_semaphore, #tpu.memory_space<semaphore_mem>>)
    %scan3A = arith.constant 0 : i32
    %scan3A_28 = arith.constant 0 : i32
    %scan3A_29 = arith.constant 125 : i32
    %scan3A_30 = arith.addi %scan3A_28, %scan3A_29 : i32
    %scan3A_31 = arith.constant 1 : i32
    %scan3A_32 = scf.for %scan3A_81 = %scan3A_28 to %scan3A_30 step %scan3A_31 iter_args(%scan3A_82 = %scan3A) -> (i32)  : i32 {
      %broadcast_in_dim3A_83 = arith.constant 0.000000e+00 : f32
      %broadcast_in_dim3A_84 = vector.broadcast %broadcast_in_dim3A_83 : f32 to vector<16xf32>
      %swap3A = arith.index_cast %scan3A_81 : i32 to index
      %swap3A_85 = arith.constant 0 : index
      %swap3A_86 = tpu.vector_load %arg12[%swap3A, %swap3A_85] {strides = array<i32>} : memref<125x80xf32, #tpu.memory_space<vmem>>, vector<16xf32>,
      tpu.vector_store %arg12[%swap3A, %swap3A_85], %broadcast_in_dim3A_84 {strides = array<i32>} : memref<125x80xf32, #tpu.memory_space<vmem>>, vector<16xf32>,
      %broadcast_in_dim3A_87 = arith.constant 0.000000e+00 : f32
      %broadcast_in_dim3A_88 = vector.broadcast %broadcast_in_dim3A_87 : f32 to vector<16xf32>
      %swap3A_89 = arith.index_cast %scan3A_81 : i32 to index
      %swap3A_90 = arith.constant 16 : index
      %swap3A_91 = tpu.vector_load %arg12[%swap3A_89, %swap3A_90] {strides = array<i32>} : memref<125x80xf32, #tpu.memory_space<vmem>>, vector<16xf32>,
      tpu.vector_store %arg12[%swap3A_89, %swap3A_90], %broadcast_in_dim3A_88 {strides = array<i32>} : memref<125x80xf32, #tpu.memory_space<vmem>>, vector<16xf32>,
      %broadcast_in_dim3A_92 = arith.constant 0.000000e+00 : f32
      %broadcast_in_dim3A_93 = vector.broadcast %broadcast_in_dim3A_92 : f32 to vector<16xf32>
      %swap3A_94 = arith.index_cast %scan3A_81 : i32 to index
      %swap3A_95 = arith.constant 32 : index
      %swap3A_96 = tpu.vector_load %arg12[%swap3A_94, %swap3A_95] {strides = array<i32>} : memref<125x80xf32, #tpu.memory_space<vmem>>, vector<16xf32>,
      tpu.vector_store %arg12[%swap3A_94, %swap3A_95], %broadcast_in_dim3A_93 {strides = array<i32>} : memref<125x80xf32, #tpu.memory_space<vmem>>, vector<16xf32>,
      %broadcast_in_dim3A_97 = arith.constant 0.000000e+00 : f32
      %broadcast_in_dim3A_98 = vector.broadcast %broadcast_in_dim3A_97 : f32 to vector<16xf32>
      %swap3A_99 = arith.index_cast %scan3A_81 : i32 to index
      %swap3A_100 = arith.constant 48 : index
      %swap3A_101 = tpu.vector_load %arg12[%swap3A_99, %swap3A_100] {strides = array<i32>} : memref<125x80xf32, #tpu.memory_space<vmem>>, vector<16xf32>,
      tpu.vector_store %arg12[%swap3A_99, %swap3A_100], %broadcast_in_dim3A_98 {strides = array<i32>} : memref<125x80xf32, #tpu.memory_space<vmem>>, vector<16xf32>,
      %broadcast_in_dim3A_102 = arith.constant 0.000000e+00 : f32
      %broadcast_in_dim3A_103 = vector.broadcast %broadcast_in_dim3A_102 : f32 to vector<16xf32>
      %swap3A_104 = arith.index_cast %scan3A_81 : i32 to index
      %swap3A_105 = arith.constant 64 : index
      %swap3A_106 = tpu.vector_load %arg12[%swap3A_104, %swap3A_105] {strides = array<i32>} : memref<125x80xf32, #tpu.memory_space<vmem>>, vector<16xf32>,
      tpu.vector_store %arg12[%swap3A_104, %swap3A_105], %broadcast_in_dim3A_103 {strides = array<i32>} : memref<125x80xf32, #tpu.memory_space<vmem>>, vector<16xf32>,
      %scan3A_107 = arith.constant 0 : i32
      scf.yield %scan3A_107 : i32
    }
    %scan3A_33 = arith.constant 125 : i32
    %mul3A_34 = arith.constant 626 : i32
    %mul3A_35 = arith.muli %arg1, %mul3A_34 : i32
    %add3A_36 = arith.constant 0 : i32
    %add3A_37 = arith.addi %mul3A_35, %add3A_36 : i32
    "tpu.region"() ({
      %run_scoped3A = tpu.sem_alloc : memref<!tpu.dma_semaphore, #tpu.memory_space<semaphore_mem>>
      %dma_start3A_81 = arith.constant 0 : i32
      %dma_start3A_82 = tpu.memref_slice %arg14[%add3A_37, %dma_start3A_81] : memref<10016x80xf32, #tpu.memory_space<vmem_shared>> -> memref<125x80xf32, #tpu.memory_space<vmem_shared>>
      %dma_start3A_83 = arith.constant 0 : i32
      %dma_start3A_84 = tpu.memref_slice %arg14[%add3A_37, %dma_start3A_83] : memref<10016x80xf32, #tpu.memory_space<vmem_shared>> -> memref<125x80xf32, #tpu.memory_space<vmem_shared>>
      tpu.enqueue_dma source(%arg12 : memref<125x80xf32, #tpu.memory_space<vmem>>) target(%dma_start3A_84 : memref<125x80xf32, #tpu.memory_space<vmem_shared>>) target_semaphore(%run_scoped3A : memref<!tpu.dma_semaphore, #tpu.memory_space<semaphore_mem>>)
      %dma_wait3A_85 = arith.constant 0 : i32
      %dma_wait3A_86 = tpu.memref_slice %arg14[%add3A_37, %dma_wait3A_85] : memref<10016x80xf32, #tpu.memory_space<vmem_shared>> -> memref<125x80xf32, #tpu.memory_space<vmem_shared>>
      %dma_wait3A_87 = arith.constant 0 : i32
      %dma_wait3A_88 = tpu.memref_slice %arg14[%add3A_37, %dma_wait3A_87] : memref<10016x80xf32, #tpu.memory_space<vmem_shared>> -> memref<125x80xf32, #tpu.memory_space<vmem_shared>>
      tpu.wait_dma2 semaphore(%run_scoped3A : memref<!tpu.dma_semaphore, #tpu.memory_space<semaphore_mem>>) src(%arg12 : memref<125x80xf32, #tpu.memory_space<vmem>>) dst(%dma_wait3A_88 : memref<125x80xf32, #tpu.memory_space<vmem_shared>>)
      tpu.yield
    }) : () -> ()
    %add3A_38 = arith.constant 125 : i32
    %add3A_39 = arith.addi %mul3A_35, %add3A_38 : i32
    "tpu.region"() ({
      %run_scoped3A = tpu.sem_alloc : memref<!tpu.dma_semaphore, #tpu.memory_space<semaphore_mem>>
      %dma_start3A_81 = arith.constant 0 : i32
      %dma_start3A_82 = tpu.memref_slice %arg14[%add3A_39, %dma_start3A_81] : memref<10016x80xf32, #tpu.memory_space<vmem_shared>> -> memref<125x80xf32, #tpu.memory_space<vmem_shared>>
      %dma_start3A_83 = arith.constant 0 : i32
      %dma_start3A_84 = tpu.memref_slice %arg14[%add3A_39, %dma_start3A_83] : memref<10016x80xf32, #tpu.memory_space<vmem_shared>> -> memref<125x80xf32, #tpu.memory_space<vmem_shared>>
      tpu.enqueue_dma source(%arg12 : memref<125x80xf32, #tpu.memory_space<vmem>>) target(%dma_start3A_84 : memref<125x80xf32, #tpu.memory_space<vmem_shared>>) target_semaphore(%run_scoped3A : memref<!tpu.dma_semaphore, #tpu.memory_space<semaphore_mem>>)
      %dma_wait3A_85 = arith.constant 0 : i32
      %dma_wait3A_86 = tpu.memref_slice %arg14[%add3A_39, %dma_wait3A_85] : memref<10016x80xf32, #tpu.memory_space<vmem_shared>> -> memref<125x80xf32, #tpu.memory_space<vmem_shared>>
      %dma_wait3A_87 = arith.constant 0 : i32
      %dma_wait3A_88 = tpu.memref_slice %arg14[%add3A_39, %dma_wait3A_87] : memref<10016x80xf32, #tpu.memory_space<vmem_shared>> -> memref<125x80xf32, #tpu.memory_space<vmem_shared>>
      tpu.wait_dma2 semaphore(%run_scoped3A : memref<!tpu.dma_semaphore, #tpu.memory_space<semaphore_mem>>) src(%arg12 : memref<125x80xf32, #tpu.memory_space<vmem>>) dst(%dma_wait3A_88 : memref<125x80xf32, #tpu.memory_space<vmem_shared>>)
      tpu.yield
    }) : () -> ()
    %add3A_40 = arith.constant 250 : i32
    %add3A_41 = arith.addi %mul3A_35, %add3A_40 : i32
    "tpu.region"() ({
      %run_scoped3A = tpu.sem_alloc : memref<!tpu.dma_semaphore, #tpu.memory_space<semaphore_mem>>
      %dma_start3A_81 = arith.constant 0 : i32
      %dma_start3A_82 = tpu.memref_slice %arg14[%add3A_41, %dma_start3A_81] : memref<10016x80xf32, #tpu.memory_space<vmem_shared>> -> memref<125x80xf32, #tpu.memory_space<vmem_shared>>
      %dma_start3A_83 = arith.constant 0 : i32
      %dma_start3A_84 = tpu.memref_slice %arg14[%add3A_41, %dma_start3A_83] : memref<10016x80xf32, #tpu.memory_space<vmem_shared>> -> memref<125x80xf32, #tpu.memory_space<vmem_shared>>
      tpu.enqueue_dma source(%arg12 : memref<125x80xf32, #tpu.memory_space<vmem>>) target(%dma_start3A_84 : memref<125x80xf32, #tpu.memory_space<vmem_shared>>) target_semaphore(%run_scoped3A : memref<!tpu.dma_semaphore, #tpu.memory_space<semaphore_mem>>)
      %dma_wait3A_85 = arith.constant 0 : i32
      %dma_wait3A_86 = tpu.memref_slice %arg14[%add3A_41, %dma_wait3A_85] : memref<10016x80xf32, #tpu.memory_space<vmem_shared>> -> memref<125x80xf32, #tpu.memory_space<vmem_shared>>
      %dma_wait3A_87 = arith.constant 0 : i32
      %dma_wait3A_88 = tpu.memref_slice %arg14[%add3A_41, %dma_wait3A_87] : memref<10016x80xf32, #tpu.memory_space<vmem_shared>> -> memref<125x80xf32, #tpu.memory_space<vmem_shared>>
      tpu.wait_dma2 semaphore(%run_scoped3A : memref<!tpu.dma_semaphore, #tpu.memory_space<semaphore_mem>>) src(%arg12 : memref<125x80xf32, #tpu.memory_space<vmem>>) dst(%dma_wait3A_88 : memref<125x80xf32, #tpu.memory_space<vmem_shared>>)
      tpu.yield
    }) : () -> ()
    %add3A_42 = arith.constant 375 : i32
    %add3A_43 = arith.addi %mul3A_35, %add3A_42 : i32
    "tpu.region"() ({
      %run_scoped3A = tpu.sem_alloc : memref<!tpu.dma_semaphore, #tpu.memory_space<semaphore_mem>>
      %dma_start3A_81 = arith.constant 0 : i32
      %dma_start3A_82 = tpu.memref_slice %arg14[%add3A_43, %dma_start3A_81] : memref<10016x80xf32, #tpu.memory_space<vmem_shared>> -> memref<125x80xf32, #tpu.memory_space<vmem_shared>>
      %dma_start3A_83 = arith.constant 0 : i32
      %dma_start3A_84 = tpu.memref_slice %arg14[%add3A_43, %dma_start3A_83] : memref<10016x80xf32, #tpu.memory_space<vmem_shared>> -> memref<125x80xf32, #tpu.memory_space<vmem_shared>>
      tpu.enqueue_dma source(%arg12 : memref<125x80xf32, #tpu.memory_space<vmem>>) target(%dma_start3A_84 : memref<125x80xf32, #tpu.memory_space<vmem_shared>>) target_semaphore(%run_scoped3A : memref<!tpu.dma_semaphore, #tpu.memory_space<semaphore_mem>>)
      %dma_wait3A_85 = arith.constant 0 : i32
      %dma_wait3A_86 = tpu.memref_slice %arg14[%add3A_43, %dma_wait3A_85] : memref<10016x80xf32, #tpu.memory_space<vmem_shared>> -> memref<125x80xf32, #tpu.memory_space<vmem_shared>>
      %dma_wait3A_87 = arith.constant 0 : i32
      %dma_wait3A_88 = tpu.memref_slice %arg14[%add3A_43, %dma_wait3A_87] : memref<10016x80xf32, #tpu.memory_space<vmem_shared>> -> memref<125x80xf32, #tpu.memory_space<vmem_shared>>
      tpu.wait_dma2 semaphore(%run_scoped3A : memref<!tpu.dma_semaphore, #tpu.memory_space<semaphore_mem>>) src(%arg12 : memref<125x80xf32, #tpu.memory_space<vmem>>) dst(%dma_wait3A_88 : memref<125x80xf32, #tpu.memory_space<vmem_shared>>)
      tpu.yield
    }) : () -> ()
    %add3A_44 = arith.constant 500 : i32
    %add3A_45 = arith.addi %mul3A_35, %add3A_44 : i32
    "tpu.region"() ({
      %run_scoped3A = tpu.sem_alloc : memref<!tpu.dma_semaphore, #tpu.memory_space<semaphore_mem>>
      %dma_start3A_81 = arith.constant 0 : i32
      %dma_start3A_82 = tpu.memref_slice %arg14[%add3A_45, %dma_start3A_81] : memref<10016x80xf32, #tpu.memory_space<vmem_shared>> -> memref<125x80xf32, #tpu.memory_space<vmem_shared>>
      %dma_start3A_83 = arith.constant 0 : i32
      %dma_start3A_84 = tpu.memref_slice %arg14[%add3A_45, %dma_start3A_83] : memref<10016x80xf32, #tpu.memory_space<vmem_shared>> -> memref<125x80xf32, #tpu.memory_space<vmem_shared>>
      tpu.enqueue_dma source(%arg12 : memref<125x80xf32, #tpu.memory_space<vmem>>) target(%dma_start3A_84 : memref<125x80xf32, #tpu.memory_space<vmem_shared>>) target_semaphore(%run_scoped3A : memref<!tpu.dma_semaphore, #tpu.memory_space<semaphore_mem>>)
      %dma_wait3A_85 = arith.constant 0 : i32
      %dma_wait3A_86 = tpu.memref_slice %arg14[%add3A_45, %dma_wait3A_85] : memref<10016x80xf32, #tpu.memory_space<vmem_shared>> -> memref<125x80xf32, #tpu.memory_space<vmem_shared>>
      %dma_wait3A_87 = arith.constant 0 : i32
      %dma_wait3A_88 = tpu.memref_slice %arg14[%add3A_45, %dma_wait3A_87] : memref<10016x80xf32, #tpu.memory_space<vmem_shared>> -> memref<125x80xf32, #tpu.memory_space<vmem_shared>>
      tpu.wait_dma2 semaphore(%run_scoped3A : memref<!tpu.dma_semaphore, #tpu.memory_space<semaphore_mem>>) src(%arg12 : memref<125x80xf32, #tpu.memory_space<vmem>>) dst(%dma_wait3A_88 : memref<125x80xf32, #tpu.memory_space<vmem_shared>>)
      tpu.yield
    }) : () -> ()
    %add3A_46 = arith.constant 626 : i32
    %add3A_47 = arith.addi %mul3A_35, %add3A_46 : i32
    %sub3A = arith.constant 1 : i32
    %sub3A_48 = arith.subi %add3A_47, %sub3A : i32
    "tpu.region"() ({
      %run_scoped3A = tpu.sem_alloc : memref<!tpu.dma_semaphore, #tpu.memory_space<semaphore_mem>>
      %dma_start3A_81 = arith.constant 0 : i32
      %dma_start3A_82 = arith.constant 0 : i32
      %dma_start3A_83 = tpu.memref_slice %arg12[%dma_start3A_81, %dma_start3A_82] : memref<125x80xf32, #tpu.memory_space<vmem>> -> memref<1x80xf32, #tpu.memory_space<vmem>>
      %dma_start3A_84 = arith.constant 0 : i32
      %dma_start3A_85 = tpu.memref_slice %arg14[%sub3A_48, %dma_start3A_84] : memref<10016x80xf32, #tpu.memory_space<vmem_shared>> -> memref<1x80xf32, #tpu.memory_space<vmem_shared>>
      %dma_start3A_86 = arith.constant 0 : i32
      %dma_start3A_87 = tpu.memref_slice %arg14[%sub3A_48, %dma_start3A_86] : memref<10016x80xf32, #tpu.memory_space<vmem_shared>> -> memref<1x80xf32, #tpu.memory_space<vmem_shared>>
      %dma_start3A_88 = arith.constant 0 : i32
      %dma_start3A_89 = arith.constant 0 : i32
      %dma_start3A_90 = tpu.memref_slice %arg12[%dma_start3A_88, %dma_start3A_89] : memref<125x80xf32, #tpu.memory_space<vmem>> -> memref<1x80xf32, #tpu.memory_space<vmem>>
      tpu.enqueue_dma source(%dma_start3A_90 : memref<1x80xf32, #tpu.memory_space<vmem>>) target(%dma_start3A_87 : memref<1x80xf32, #tpu.memory_space<vmem_shared>>) target_semaphore(%run_scoped3A : memref<!tpu.dma_semaphore, #tpu.memory_space<semaphore_mem>>)
      %dma_wait3A_91 = arith.constant 0 : i32
      %dma_wait3A_92 = arith.constant 0 : i32
      %dma_wait3A_93 = tpu.memref_slice %arg12[%dma_wait3A_91, %dma_wait3A_92] : memref<125x80xf32, #tpu.memory_space<vmem>> -> memref<1x80xf32, #tpu.memory_space<vmem>>
      %dma_wait3A_94 = arith.constant 0 : i32
      %dma_wait3A_95 = tpu.memref_slice %arg14[%sub3A_48, %dma_wait3A_94] : memref<10016x80xf32, #tpu.memory_space<vmem_shared>> -> memref<1x80xf32, #tpu.memory_space<vmem_shared>>
      %dma_wait3A_96 = arith.constant 0 : i32
      %dma_wait3A_97 = tpu.memref_slice %arg14[%sub3A_48, %dma_wait3A_96] : memref<10016x80xf32, #tpu.memory_space<vmem_shared>> -> memref<1x80xf32, #tpu.memory_space<vmem_shared>>
      %dma_wait3A_98 = arith.constant 0 : i32
      %dma_wait3A_99 = arith.constant 0 : i32
      %dma_wait3A_100 = tpu.memref_slice %arg12[%dma_wait3A_98, %dma_wait3A_99] : memref<125x80xf32, #tpu.memory_space<vmem>> -> memref<1x80xf32, #tpu.memory_space<vmem>>
      tpu.wait_dma2 semaphore(%run_scoped3A : memref<!tpu.dma_semaphore, #tpu.memory_space<semaphore_mem>>) src(%dma_wait3A_100 : memref<1x80xf32, #tpu.memory_space<vmem>>) dst(%dma_wait3A_97 : memref<1x80xf32, #tpu.memory_space<vmem_shared>>)
      tpu.yield
    }) : () -> ()
    %iota3A = tpu.iota {dimensions = array<i32: 0>} : vector<16xi32>
    %eq3A = arith.constant 0 : i32
    %eq3A_49 = vector.broadcast %eq3A : i32 to vector<16xi32>
    %eq3A_50 = arith.cmpi eq, %iota3A, %eq3A_49 : vector<16xi32>
    %jit3A = arith.constant 1.000000e+00 : f32
    %jit3A_51 = arith.constant 0.000000e+00 : f32
    %broadcast_in_dim3A = vector.broadcast %jit3A : f32 to vector<16xf32>
    %broadcast_in_dim3A_52 = vector.broadcast %jit3A_51 : f32 to vector<16xf32>
    %select_n3A = arith.select %eq3A_50, %broadcast_in_dim3A, %broadcast_in_dim3A_52 : vector<16xi1>, vector<16xf32>
    %scan3A_53 = arith.constant 0 : i32
    %scan3A_54 = arith.constant 0 : i32
    %scan3A_55 = arith.constant 125 : i32
    %scan3A_56 = arith.addi %scan3A_54, %scan3A_55 : i32
    %scan3A_57 = arith.constant 1 : i32
    %scan3A_58 = scf.for %scan3A_81 = %scan3A_54 to %scan3A_56 step %scan3A_57 iter_args(%scan3A_82 = %scan3A_53) -> (i32)  : i32 {
      %swap3A = arith.index_cast %scan3A_81 : i32 to index
      %swap3A_83 = arith.constant 64 : index
      %swap3A_84 = tpu.vector_load %arg12[%swap3A, %swap3A_83] {strides = array<i32>} : memref<125x80xf32, #tpu.memory_space<vmem>>, vector<16xf32>,
      tpu.vector_store %arg12[%swap3A, %swap3A_83], %select_n3A {strides = array<i32>} : memref<125x80xf32, #tpu.memory_space<vmem>>, vector<16xf32>,
      %swap3A_85 = arith.index_cast %scan3A_81 : i32 to index
      %swap3A_86 = arith.constant 64 : index
      %swap3A_87 = tpu.vector_load %arg13[%swap3A_85, %swap3A_86] {strides = array<i32>} : memref<125x80xf32, #tpu.memory_space<vmem>>, vector<16xf32>,
      tpu.vector_store %arg13[%swap3A_85, %swap3A_86], %select_n3A {strides = array<i32>} : memref<125x80xf32, #tpu.memory_space<vmem>>, vector<16xf32>,
      %scan3A_88 = arith.constant 0 : i32
      scf.yield %scan3A_88 : i32
    }
    %scan3A_59 = arith.constant 125 : i32
    %barrier3A = arith.constant 0 : index
    tpu.barrier barrier_id(%barrier3A)
    %scan3A_60 = arith.constant 0 : i32
    %scan3A_61 = arith.constant 0 : i32
    %scan3A_62 = arith.constant 40 : i32
    %scan3A_63 = arith.addi %scan3A_61, %scan3A_62 : i32
    %scan3A_64 = arith.constant 1 : i32
    %scan3A_65 = scf.for %scan3A_81 = %scan3A_61 to %scan3A_63 step %scan3A_64 iter_args(%scan3A_82 = %scan3A_60) -> (i32)  : i32 {
      %mul3A_83 = arith.constant 4 : i32
      %mul3A_84 = arith.muli %scan3A_81, %mul3A_83 : i32
      %add3A_85 = arith.constant 0 : i32
      %add3A_86 = arith.addi %mul3A_84, %add3A_85 : i32
      %dma_wait3A_87 = arith.constant 0 : i32
      %dma_wait3A_88 = tpu.memref_slice %arg6[%add3A_86, %dma_wait3A_87] : memref<160x125xi32, #tpu.memory_space<vmem>> -> memref<1x125xi32, #tpu.memory_space<vmem>>
      %dma_wait3A_89 = tpu.memref_squeeze %dma_wait3A_88 : memref<1x125xi32, #tpu.memory_space<vmem>> -> memref<125xi32, #tpu.memory_space<vmem>>
      %dma_wait3A_90 = arith.constant 0 : i32
      %dma_wait3A_91 = arith.constant 0 : i32
      %dma_wait3A_92 = tpu.memref_slice %arg2[%dma_wait3A_90, %dma_wait3A_91] : memref<20000x64xbf16, #tpu.memory_space<hbm>> -> memref<20000x64xbf16, #tpu.memory_space<hbm>>
      tpu.wait_indirect_dma semaphore(%arg15 : memref<!tpu.dma_semaphore, #tpu.memory_space<semaphore_mem>>) src(%dma_wait3A_92 : memref<20000x64xbf16, #tpu.memory_space<hbm>>) dst(%arg8 : memref<125x64xbf16, #tpu.memory_space<vmem>>)
      %ge3A = arith.constant 2 : i32
      %ge3A_93 = arith.cmpi sge, %add3A_86, %ge3A : i32
      %convert_element_type3A = arith.extui %ge3A_93 : i1 to i32
      %cond3A = arith.constant 0 : i32
      %cond3A_94 = arith.cmpi ne, %convert_element_type3A, %cond3A : i32
      scf.if %cond3A_94 {
        %sub3A_220 = arith.constant 2 : i32
        %sub3A_221 = arith.subi %add3A_86, %sub3A_220 : i32
        %dma_wait3A_222 = arith.constant 0 : i32
        %dma_wait3A_223 = tpu.memref_slice %arg7[%sub3A_221, %dma_wait3A_222] : memref<160x125xi32, #tpu.memory_space<vmem>> -> memref<1x125xi32, #tpu.memory_space<vmem>>
        %dma_wait3A_224 = tpu.memref_squeeze %dma_wait3A_223 : memref<1x125xi32, #tpu.memory_space<vmem>> -> memref<125xi32, #tpu.memory_space<vmem>>
        %dma_wait3A_225 = arith.constant 0 : i32
        %dma_wait3A_226 = arith.constant 0 : i32
        %dma_wait3A_227 = tpu.memref_slice %arg14[%dma_wait3A_225, %dma_wait3A_226] : memref<10016x80xf32, #tpu.memory_space<vmem_shared>> -> memref<10016x80xf32, #tpu.memory_space<vmem_shared>>
        tpu.wait_indirect_dma semaphore(%arg19 : memref<!tpu.dma_semaphore, #tpu.memory_space<semaphore_mem>>) src(%arg12 : memref<125x80xf32, #tpu.memory_space<vmem>>) dst(%dma_wait3A_227 : memref<10016x80xf32, #tpu.memory_space<vmem_shared>>)
      } else {
      }
      %scan3A_95 = arith.constant 0 : i32
      %scan3A_96 = arith.constant 0 : i32
      %scan3A_97 = arith.constant 25 : i32
      %scan3A_98 = arith.addi %scan3A_96, %scan3A_97 : i32
      %scan3A_99 = arith.constant 1 : i32
      %scan3A_100 = scf.for %scan3A_220 = %scan3A_96 to %scan3A_98 step %scan3A_99 iter_args(%scan3A_221 = %scan3A_95) -> (i32)  : i32 {
        %mul3A_222 = arith.constant 5 : i32
        %mul3A_223 = arith.muli %scan3A_220, %mul3A_222 : i32
        %add3A_224 = arith.constant 0 : i32
        %add3A_225 = arith.addi %mul3A_223, %add3A_224 : i32
        %get3A = arith.index_cast %add3A_225 : i32 to index
        %get3A_226 = arith.constant 0 : index
        %get3A_227 = tpu.vector_load %arg8[%get3A, %get3A_226] {strides = array<i32>} : memref<125x64xbf16, #tpu.memory_space<vmem>>, vector<32xbf16>,
        %unpack3A = tpu.unpack_subelements %get3A_227, 0 {pack_format = #tpu.pack_format<interleaved>} : vector<32xbf16> -> vector<16xf32>
        %unpack3A_228 = tpu.unpack_subelements %get3A_227, 1 {pack_format = #tpu.pack_format<interleaved>} : vector<32xbf16> -> vector<16xf32>
        %swap3A = arith.index_cast %add3A_225 : i32 to index
        %swap3A_229 = arith.constant 0 : index
        %swap3A_230 = tpu.vector_load %arg12[%swap3A, %swap3A_229] {strides = array<i32>} : memref<125x80xf32, #tpu.memory_space<vmem>>, vector<16xf32>,
        tpu.vector_store %arg12[%swap3A, %swap3A_229], %unpack3A {strides = array<i32>} : memref<125x80xf32, #tpu.memory_space<vmem>>, vector<16xf32>,
        %swap3A_231 = arith.index_cast %add3A_225 : i32 to index
        %swap3A_232 = arith.constant 16 : index
        %swap3A_233 = tpu.vector_load %arg12[%swap3A_231, %swap3A_232] {strides = array<i32>} : memref<125x80xf32, #tpu.memory_space<vmem>>, vector<16xf32>,
        tpu.vector_store %arg12[%swap3A_231, %swap3A_232], %unpack3A_228 {strides = array<i32>} : memref<125x80xf32, #tpu.memory_space<vmem>>, vector<16xf32>,
        %get3A_234 = arith.index_cast %add3A_225 : i32 to index
        %get3A_235 = arith.constant 32 : index
        %get3A_236 = tpu.vector_load %arg8[%get3A_234, %get3A_235] {strides = array<i32>} : memref<125x64xbf16, #tpu.memory_space<vmem>>, vector<32xbf16>,
        %unpack3A_237 = tpu.unpack_subelements %get3A_236, 0 {pack_format = #tpu.pack_format<interleaved>} : vector<32xbf16> -> vector<16xf32>
        %unpack3A_238 = tpu.unpack_subelements %get3A_236, 1 {pack_format = #tpu.pack_format<interleaved>} : vector<32xbf16> -> vector<16xf32>
        %swap3A_239 = arith.index_cast %add3A_225 : i32 to index
        %swap3A_240 = arith.constant 32 : index
        %swap3A_241 = tpu.vector_load %arg12[%swap3A_239, %swap3A_240] {strides = array<i32>} : memref<125x80xf32, #tpu.memory_space<vmem>>, vector<16xf32>,
        tpu.vector_store %arg12[%swap3A_239, %swap3A_240], %unpack3A_237 {strides = array<i32>} : memref<125x80xf32, #tpu.memory_space<vmem>>, vector<16xf32>,
        %swap3A_242 = arith.index_cast %add3A_225 : i32 to index
        %swap3A_243 = arith.constant 48 : index
        %swap3A_244 = tpu.vector_load %arg12[%swap3A_242, %swap3A_243] {strides = array<i32>} : memref<125x80xf32, #tpu.memory_space<vmem>>, vector<16xf32>,
        tpu.vector_store %arg12[%swap3A_242, %swap3A_243], %unpack3A_238 {strides = array<i32>} : memref<125x80xf32, #tpu.memory_space<vmem>>, vector<16xf32>,
        %mul3A_245 = arith.constant 5 : i32
        %mul3A_246 = arith.muli %scan3A_220, %mul3A_245 : i32
        %add3A_247 = arith.constant 1 : i32
        %add3A_248 = arith.addi %mul3A_246, %add3A_247 : i32
        %get3A_249 = arith.index_cast %add3A_248 : i32 to index
        %get3A_250 = arith.constant 0 : index
        %get3A_251 = tpu.vector_load %arg8[%get3A_249, %get3A_250] {strides = array<i32>} : memref<125x64xbf16, #tpu.memory_space<vmem>>, vector<32xbf16>,
        %unpack3A_252 = tpu.unpack_subelements %get3A_251, 0 {pack_format = #tpu.pack_format<interleaved>} : vector<32xbf16> -> vector<16xf32>
        %unpack3A_253 = tpu.unpack_subelements %get3A_251, 1 {pack_format = #tpu.pack_format<interleaved>} : vector<32xbf16> -> vector<16xf32>
        %swap3A_254 = arith.index_cast %add3A_248 : i32 to index
        %swap3A_255 = arith.constant 0 : index
        %swap3A_256 = tpu.vector_load %arg12[%swap3A_254, %swap3A_255] {strides = array<i32>} : memref<125x80xf32, #tpu.memory_space<vmem>>, vector<16xf32>,
        tpu.vector_store %arg12[%swap3A_254, %swap3A_255], %unpack3A_252 {strides = array<i32>} : memref<125x80xf32, #tpu.memory_space<vmem>>, vector<16xf32>,
        %swap3A_257 = arith.index_cast %add3A_248 : i32 to index
        %swap3A_258 = arith.constant 16 : index
        %swap3A_259 = tpu.vector_load %arg12[%swap3A_257, %swap3A_258] {strides = array<i32>} : memref<125x80xf32, #tpu.memory_space<vmem>>, vector<16xf32>,
        tpu.vector_store %arg12[%swap3A_257, %swap3A_258], %unpack3A_253 {strides = array<i32>} : memref<125x80xf32, #tpu.memory_space<vmem>>, vector<16xf32>,
        %get3A_260 = arith.index_cast %add3A_248 : i32 to index
        %get3A_261 = arith.constant 32 : index
        %get3A_262 = tpu.vector_load %arg8[%get3A_260, %get3A_261] {strides = array<i32>} : memref<125x64xbf16, #tpu.memory_space<vmem>>, vector<32xbf16>,
        %unpack3A_263 = tpu.unpack_subelements %get3A_262, 0 {pack_format = #tpu.pack_format<interleaved>} : vector<32xbf16> -> vector<16xf32>
        %unpack3A_264 = tpu.unpack_subelements %get3A_262, 1 {pack_format = #tpu.pack_format<interleaved>} : vector<32xbf16> -> vector<16xf32>
        %swap3A_265 = arith.index_cast %add3A_248 : i32 to index
        %swap3A_266 = arith.constant 32 : index
        %swap3A_267 = tpu.vector_load %arg12[%swap3A_265, %swap3A_266] {strides = array<i32>} : memref<125x80xf32, #tpu.memory_space<vmem>>, vector<16xf32>,
        tpu.vector_store %arg12[%swap3A_265, %swap3A_266], %unpack3A_263 {strides = array<i32>} : memref<125x80xf32, #tpu.memory_space<vmem>>, vector<16xf32>,
        %swap3A_268 = arith.index_cast %add3A_248 : i32 to index
        %swap3A_269 = arith.constant 48 : index
        %swap3A_270 = tpu.vector_load %arg12[%swap3A_268, %swap3A_269] {strides = array<i32>} : memref<125x80xf32, #tpu.memory_space<vmem>>, vector<16xf32>,
        tpu.vector_store %arg12[%swap3A_268, %swap3A_269], %unpack3A_264 {strides = array<i32>} : memref<125x80xf32, #tpu.memory_space<vmem>>, vector<16xf32>,
        %mul3A_271 = arith.constant 5 : i32
        %mul3A_272 = arith.muli %scan3A_220, %mul3A_271 : i32
        %add3A_273 = arith.constant 2 : i32
        %add3A_274 = arith.addi %mul3A_272, %add3A_273 : i32
        %get3A_275 = arith.index_cast %add3A_274 : i32 to index
        %get3A_276 = arith.constant 0 : index
        %get3A_277 = tpu.vector_load %arg8[%get3A_275, %get3A_276] {strides = array<i32>} : memref<125x64xbf16, #tpu.memory_space<vmem>>, vector<32xbf16>,
        %unpack3A_278 = tpu.unpack_subelements %get3A_277, 0 {pack_format = #tpu.pack_format<interleaved>} : vector<32xbf16> -> vector<16xf32>
        %unpack3A_279 = tpu.unpack_subelements %get3A_277, 1 {pack_format = #tpu.pack_format<interleaved>} : vector<32xbf16> -> vector<16xf32>
        %swap3A_280 = arith.index_cast %add3A_274 : i32 to index
        %swap3A_281 = arith.constant 0 : index
        %swap3A_282 = tpu.vector_load %arg12[%swap3A_280, %swap3A_281] {strides = array<i32>} : memref<125x80xf32, #tpu.memory_space<vmem>>, vector<16xf32>,
        tpu.vector_store %arg12[%swap3A_280, %swap3A_281], %unpack3A_278 {strides = array<i32>} : memref<125x80xf32, #tpu.memory_space<vmem>>, vector<16xf32>,
        %swap3A_283 = arith.index_cast %add3A_274 : i32 to index
        %swap3A_284 = arith.constant 16 : index
        %swap3A_285 = tpu.vector_load %arg12[%swap3A_283, %swap3A_284] {strides = array<i32>} : memref<125x80xf32, #tpu.memory_space<vmem>>, vector<16xf32>,
        tpu.vector_store %arg12[%swap3A_283, %swap3A_284], %unpack3A_279 {strides = array<i32>} : memref<125x80xf32, #tpu.memory_space<vmem>>, vector<16xf32>,
        %get3A_286 = arith.index_cast %add3A_274 : i32 to index
        %get3A_287 = arith.constant 32 : index
        %get3A_288 = tpu.vector_load %arg8[%get3A_286, %get3A_287] {strides = array<i32>} : memref<125x64xbf16, #tpu.memory_space<vmem>>, vector<32xbf16>,
        %unpack3A_289 = tpu.unpack_subelements %get3A_288, 0 {pack_format = #tpu.pack_format<interleaved>} : vector<32xbf16> -> vector<16xf32>
        %unpack3A_290 = tpu.unpack_subelements %get3A_288, 1 {pack_format = #tpu.pack_format<interleaved>} : vector<32xbf16> -> vector<16xf32>
        %swap3A_291 = arith.index_cast %add3A_274 : i32 to index
        %swap3A_292 = arith.constant 32 : index
        %swap3A_293 = tpu.vector_load %arg12[%swap3A_291, %swap3A_292] {strides = array<i32>} : memref<125x80xf32, #tpu.memory_space<vmem>>, vector<16xf32>,
        tpu.vector_store %arg12[%swap3A_291, %swap3A_292], %unpack3A_289 {strides = array<i32>} : memref<125x80xf32, #tpu.memory_space<vmem>>, vector<16xf32>,
        %swap3A_294 = arith.index_cast %add3A_274 : i32 to index
        %swap3A_295 = arith.constant 48 : index
        %swap3A_296 = tpu.vector_load %arg12[%swap3A_294, %swap3A_295] {strides = array<i32>} : memref<125x80xf32, #tpu.memory_space<vmem>>, vector<16xf32>,
        tpu.vector_store %arg12[%swap3A_294, %swap3A_295], %unpack3A_290 {strides = array<i32>} : memref<125x80xf32, #tpu.memory_space<vmem>>, vector<16xf32>,
        %mul3A_297 = arith.constant 5 : i32
        %mul3A_298 = arith.muli %scan3A_220, %mul3A_297 : i32
        %add3A_299 = arith.constant 3 : i32
        %add3A_300 = arith.addi %mul3A_298, %add3A_299 : i32
        %get3A_301 = arith.index_cast %add3A_300 : i32 to index
        %get3A_302 = arith.constant 0 : index
        %get3A_303 = tpu.vector_load %arg8[%get3A_301, %get3A_302] {strides = array<i32>} : memref<125x64xbf16, #tpu.memory_space<vmem>>, vector<32xbf16>,
        %unpack3A_304 = tpu.unpack_subelements %get3A_303, 0 {pack_format = #tpu.pack_format<interleaved>} : vector<32xbf16> -> vector<16xf32>
        %unpack3A_305 = tpu.unpack_subelements %get3A_303, 1 {pack_format = #tpu.pack_format<interleaved>} : vector<32xbf16> -> vector<16xf32>
        %swap3A_306 = arith.index_cast %add3A_300 : i32 to index
        %swap3A_307 = arith.constant 0 : index
        %swap3A_308 = tpu.vector_load %arg12[%swap3A_306, %swap3A_307] {strides = array<i32>} : memref<125x80xf32, #tpu.memory_space<vmem>>, vector<16xf32>,
        tpu.vector_store %arg12[%swap3A_306, %swap3A_307], %unpack3A_304 {strides = array<i32>} : memref<125x80xf32, #tpu.memory_space<vmem>>, vector<16xf32>,
        %swap3A_309 = arith.index_cast %add3A_300 : i32 to index
        %swap3A_310 = arith.constant 16 : index
        %swap3A_311 = tpu.vector_load %arg12[%swap3A_309, %swap3A_310] {strides = array<i32>} : memref<125x80xf32, #tpu.memory_space<vmem>>, vector<16xf32>,
        tpu.vector_store %arg12[%swap3A_309, %swap3A_310], %unpack3A_305 {strides = array<i32>} : memref<125x80xf32, #tpu.memory_space<vmem>>, vector<16xf32>,
        %get3A_312 = arith.index_cast %add3A_300 : i32 to index
        %get3A_313 = arith.constant 32 : index
        %get3A_314 = tpu.vector_load %arg8[%get3A_312, %get3A_313] {strides = array<i32>} : memref<125x64xbf16, #tpu.memory_space<vmem>>, vector<32xbf16>,
        %unpack3A_315 = tpu.unpack_subelements %get3A_314, 0 {pack_format = #tpu.pack_format<interleaved>} : vector<32xbf16> -> vector<16xf32>
        %unpack3A_316 = tpu.unpack_subelements %get3A_314, 1 {pack_format = #tpu.pack_format<interleaved>} : vector<32xbf16> -> vector<16xf32>
        %swap3A_317 = arith.index_cast %add3A_300 : i32 to index
        %swap3A_318 = arith.constant 32 : index
        %swap3A_319 = tpu.vector_load %arg12[%swap3A_317, %swap3A_318] {strides = array<i32>} : memref<125x80xf32, #tpu.memory_space<vmem>>, vector<16xf32>,
        tpu.vector_store %arg12[%swap3A_317, %swap3A_318], %unpack3A_315 {strides = array<i32>} : memref<125x80xf32, #tpu.memory_space<vmem>>, vector<16xf32>,
        %swap3A_320 = arith.index_cast %add3A_300 : i32 to index
        %swap3A_321 = arith.constant 48 : index
        %swap3A_322 = tpu.vector_load %arg12[%swap3A_320, %swap3A_321] {strides = array<i32>} : memref<125x80xf32, #tpu.memory_space<vmem>>, vector<16xf32>,
        tpu.vector_store %arg12[%swap3A_320, %swap3A_321], %unpack3A_316 {strides = array<i32>} : memref<125x80xf32, #tpu.memory_space<vmem>>, vector<16xf32>,
        %mul3A_323 = arith.constant 5 : i32
        %mul3A_324 = arith.muli %scan3A_220, %mul3A_323 : i32
        %add3A_325 = arith.constant 4 : i32
        %add3A_326 = arith.addi %mul3A_324, %add3A_325 : i32
        %get3A_327 = arith.index_cast %add3A_326 : i32 to index
        %get3A_328 = arith.constant 0 : index
        %get3A_329 = tpu.vector_load %arg8[%get3A_327, %get3A_328] {strides = array<i32>} : memref<125x64xbf16, #tpu.memory_space<vmem>>, vector<32xbf16>,
        %unpack3A_330 = tpu.unpack_subelements %get3A_329, 0 {pack_format = #tpu.pack_format<interleaved>} : vector<32xbf16> -> vector<16xf32>
        %unpack3A_331 = tpu.unpack_subelements %get3A_329, 1 {pack_format = #tpu.pack_format<interleaved>} : vector<32xbf16> -> vector<16xf32>
        %swap3A_332 = arith.index_cast %add3A_326 : i32 to index
        %swap3A_333 = arith.constant 0 : index
        %swap3A_334 = tpu.vector_load %arg12[%swap3A_332, %swap3A_333] {strides = array<i32>} : memref<125x80xf32, #tpu.memory_space<vmem>>, vector<16xf32>,
        tpu.vector_store %arg12[%swap3A_332, %swap3A_333], %unpack3A_330 {strides = array<i32>} : memref<125x80xf32, #tpu.memory_space<vmem>>, vector<16xf32>,
        %swap3A_335 = arith.index_cast %add3A_326 : i32 to index
        %swap3A_336 = arith.constant 16 : index
        %swap3A_337 = tpu.vector_load %arg12[%swap3A_335, %swap3A_336] {strides = array<i32>} : memref<125x80xf32, #tpu.memory_space<vmem>>, vector<16xf32>,
        tpu.vector_store %arg12[%swap3A_335, %swap3A_336], %unpack3A_331 {strides = array<i32>} : memref<125x80xf32, #tpu.memory_space<vmem>>, vector<16xf32>,
        %get3A_338 = arith.index_cast %add3A_326 : i32 to index
        %get3A_339 = arith.constant 32 : index
        %get3A_340 = tpu.vector_load %arg8[%get3A_338, %get3A_339] {strides = array<i32>} : memref<125x64xbf16, #tpu.memory_space<vmem>>, vector<32xbf16>,
        %unpack3A_341 = tpu.unpack_subelements %get3A_340, 0 {pack_format = #tpu.pack_format<interleaved>} : vector<32xbf16> -> vector<16xf32>
        %unpack3A_342 = tpu.unpack_subelements %get3A_340, 1 {pack_format = #tpu.pack_format<interleaved>} : vector<32xbf16> -> vector<16xf32>
        %swap3A_343 = arith.index_cast %add3A_326 : i32 to index
        %swap3A_344 = arith.constant 32 : index
        %swap3A_345 = tpu.vector_load %arg12[%swap3A_343, %swap3A_344] {strides = array<i32>} : memref<125x80xf32, #tpu.memory_space<vmem>>, vector<16xf32>,
        tpu.vector_store %arg12[%swap3A_343, %swap3A_344], %unpack3A_341 {strides = array<i32>} : memref<125x80xf32, #tpu.memory_space<vmem>>, vector<16xf32>,
        %swap3A_346 = arith.index_cast %add3A_326 : i32 to index
        %swap3A_347 = arith.constant 48 : index
        %swap3A_348 = tpu.vector_load %arg12[%swap3A_346, %swap3A_347] {strides = array<i32>} : memref<125x80xf32, #tpu.memory_space<vmem>>, vector<16xf32>,
        tpu.vector_store %arg12[%swap3A_346, %swap3A_347], %unpack3A_342 {strides = array<i32>} : memref<125x80xf32, #tpu.memory_space<vmem>>, vector<16xf32>,
        %scan3A_349 = arith.constant 0 : i32
        scf.yield %scan3A_349 : i32
      }
      %scan3A_101 = arith.constant 25 : i32
      %dma_start3A_102 = arith.constant 0 : i32
      %dma_start3A_103 = tpu.memref_slice %arg7[%add3A_86, %dma_start3A_102] : memref<160x125xi32, #tpu.memory_space<vmem>> -> memref<1x125xi32, #tpu.memory_space<vmem>>
      %dma_start3A_104 = tpu.memref_squeeze %dma_start3A_103 : memref<1x125xi32, #tpu.memory_space<vmem>> -> memref<125xi32, #tpu.memory_space<vmem>>
      %dma_start3A_105 = arith.constant 0 : i32
      %dma_start3A_106 = arith.constant 0 : i32
      %dma_start3A_107 = tpu.memref_slice %arg14[%dma_start3A_105, %dma_start3A_106] : memref<10016x80xf32, #tpu.memory_space<vmem_shared>> -> memref<10016x80xf32, #tpu.memory_space<vmem_shared>>
      tpu.enqueue_indirect_dma source(%arg12 : memref<125x80xf32, #tpu.memory_space<vmem>>) target(%dma_start3A_107 : memref<10016x80xf32, #tpu.memory_space<vmem_shared>>) offsets(%dma_start3A_104 : memref<125xi32, #tpu.memory_space<vmem>>) semaphore(%arg19 : memref<!tpu.dma_semaphore, #tpu.memory_space<semaphore_mem>>) {add = true}
      %add3A_108 = arith.constant 4 : i32
      %add3A_109 = arith.addi %add3A_86, %add3A_108 : i32
      %lt3A = arith.constant 160 : i32
      %lt3A_110 = arith.cmpi slt, %add3A_109, %lt3A : i32
      %convert_element_type3A_111 = arith.extui %lt3A_110 : i1 to i32
      %cond3A_112 = arith.constant 0 : i32
      %cond3A_113 = arith.cmpi ne, %convert_element_type3A_111, %cond3A_112 : i32
      scf.if %cond3A_113 {
        %add3A_220 = arith.constant 4 : i32
        %add3A_221 = arith.addi %add3A_86, %add3A_220 : i32
        %dma_start3A_222 = arith.constant 0 : i32
        %dma_start3A_223 = tpu.memref_slice %arg6[%add3A_221, %dma_start3A_222] : memref<160x125xi32, #tpu.memory_space<vmem>> -> memref<1x125xi32, #tpu.memory_space<vmem>>
        %dma_start3A_224 = tpu.memref_squeeze %dma_start3A_223 : memref<1x125xi32, #tpu.memory_space<vmem>> -> memref<125xi32, #tpu.memory_space<vmem>>
        %dma_start3A_225 = arith.constant 0 : i32
        %dma_start3A_226 = arith.constant 0 : i32
        %dma_start3A_227 = tpu.memref_slice %arg2[%dma_start3A_225, %dma_start3A_226] : memref<20000x64xbf16, #tpu.memory_space<hbm>> -> memref<20000x64xbf16, #tpu.memory_space<hbm>>
        tpu.enqueue_indirect_dma source(%dma_start3A_227 : memref<20000x64xbf16, #tpu.memory_space<hbm>>) target(%arg8 : memref<125x64xbf16, #tpu.memory_space<vmem>>) offsets(%dma_start3A_224 : memref<125xi32, #tpu.memory_space<vmem>>) semaphore(%arg15 : memref<!tpu.dma_semaphore, #tpu.memory_space<semaphore_mem>>)
      } else {
      }
      %mul3A_114 = arith.constant 4 : i32
      %mul3A_115 = arith.muli %scan3A_81, %mul3A_114 : i32
      %add3A_116 = arith.constant 1 : i32
      %add3A_117 = arith.addi %mul3A_115, %add3A_116 : i32
      %dma_wait3A_118 = arith.constant 0 : i32
      %dma_wait3A_119 = tpu.memref_slice %arg6[%add3A_117, %dma_wait3A_118] : memref<160x125xi32, #tpu.memory_space<vmem>> -> memref<1x125xi32, #tpu.memory_space<vmem>>
      %dma_wait3A_120 = tpu.memref_squeeze %dma_wait3A_119 : memref<1x125xi32, #tpu.memory_space<vmem>> -> memref<125xi32, #tpu.memory_space<vmem>>
      %dma_wait3A_121 = arith.constant 0 : i32
      %dma_wait3A_122 = arith.constant 0 : i32
      %dma_wait3A_123 = tpu.memref_slice %arg2[%dma_wait3A_121, %dma_wait3A_122] : memref<20000x64xbf16, #tpu.memory_space<hbm>> -> memref<20000x64xbf16, #tpu.memory_space<hbm>>
      tpu.wait_indirect_dma semaphore(%arg16 : memref<!tpu.dma_semaphore, #tpu.memory_space<semaphore_mem>>) src(%dma_wait3A_123 : memref<20000x64xbf16, #tpu.memory_space<hbm>>) dst(%arg9 : memref<125x64xbf16, #tpu.memory_space<vmem>>)
      %ge3A_124 = arith.constant 2 : i32
      %ge3A_125 = arith.cmpi sge, %add3A_117, %ge3A_124 : i32
      %convert_element_type3A_126 = arith.extui %ge3A_125 : i1 to i32
      %cond3A_127 = arith.constant 0 : i32
      %cond3A_128 = arith.cmpi ne, %convert_element_type3A_126, %cond3A_127 : i32
      scf.if %cond3A_128 {
        %sub3A_220 = arith.constant 2 : i32
        %sub3A_221 = arith.subi %add3A_117, %sub3A_220 : i32
        %dma_wait3A_222 = arith.constant 0 : i32
        %dma_wait3A_223 = tpu.memref_slice %arg7[%sub3A_221, %dma_wait3A_222] : memref<160x125xi32, #tpu.memory_space<vmem>> -> memref<1x125xi32, #tpu.memory_space<vmem>>
        %dma_wait3A_224 = tpu.memref_squeeze %dma_wait3A_223 : memref<1x125xi32, #tpu.memory_space<vmem>> -> memref<125xi32, #tpu.memory_space<vmem>>
        %dma_wait3A_225 = arith.constant 0 : i32
        %dma_wait3A_226 = arith.constant 0 : i32
        %dma_wait3A_227 = tpu.memref_slice %arg14[%dma_wait3A_225, %dma_wait3A_226] : memref<10016x80xf32, #tpu.memory_space<vmem_shared>> -> memref<10016x80xf32, #tpu.memory_space<vmem_shared>>
        tpu.wait_indirect_dma semaphore(%arg20 : memref<!tpu.dma_semaphore, #tpu.memory_space<semaphore_mem>>) src(%arg13 : memref<125x80xf32, #tpu.memory_space<vmem>>) dst(%dma_wait3A_227 : memref<10016x80xf32, #tpu.memory_space<vmem_shared>>)
      } else {
      }
      %scan3A_129 = arith.constant 0 : i32
      %scan3A_130 = arith.constant 0 : i32
      %scan3A_131 = arith.constant 25 : i32
      %scan3A_132 = arith.addi %scan3A_130, %scan3A_131 : i32
      %scan3A_133 = arith.constant 1 : i32
      %scan3A_134 = scf.for %scan3A_220 = %scan3A_130 to %scan3A_132 step %scan3A_133 iter_args(%scan3A_221 = %scan3A_129) -> (i32)  : i32 {
        %mul3A_222 = arith.constant 5 : i32
        %mul3A_223 = arith.muli %scan3A_220, %mul3A_222 : i32
        %add3A_224 = arith.constant 0 : i32
        %add3A_225 = arith.addi %mul3A_223, %add3A_224 : i32
        %get3A = arith.index_cast %add3A_225 : i32 to index
        %get3A_226 = arith.constant 0 : index
        %get3A_227 = tpu.vector_load %arg9[%get3A, %get3A_226] {strides = array<i32>} : memref<125x64xbf16, #tpu.memory_space<vmem>>, vector<32xbf16>,
        %unpack3A = tpu.unpack_subelements %get3A_227, 0 {pack_format = #tpu.pack_format<interleaved>} : vector<32xbf16> -> vector<16xf32>
        %unpack3A_228 = tpu.unpack_subelements %get3A_227, 1 {pack_format = #tpu.pack_format<interleaved>} : vector<32xbf16> -> vector<16xf32>
        %swap3A = arith.index_cast %add3A_225 : i32 to index
        %swap3A_229 = arith.constant 0 : index
        %swap3A_230 = tpu.vector_load %arg13[%swap3A, %swap3A_229] {strides = array<i32>} : memref<125x80xf32, #tpu.memory_space<vmem>>, vector<16xf32>,
        tpu.vector_store %arg13[%swap3A, %swap3A_229], %unpack3A {strides = array<i32>} : memref<125x80xf32, #tpu.memory_space<vmem>>, vector<16xf32>,
        %swap3A_231 = arith.index_cast %add3A_225 : i32 to index
        %swap3A_232 = arith.constant 16 : index
        %swap3A_233 = tpu.vector_load %arg13[%swap3A_231, %swap3A_232] {strides = array<i32>} : memref<125x80xf32, #tpu.memory_space<vmem>>, vector<16xf32>,
        tpu.vector_store %arg13[%swap3A_231, %swap3A_232], %unpack3A_228 {strides = array<i32>} : memref<125x80xf32, #tpu.memory_space<vmem>>, vector<16xf32>,
        %get3A_234 = arith.index_cast %add3A_225 : i32 to index
        %get3A_235 = arith.constant 32 : index
        %get3A_236 = tpu.vector_load %arg9[%get3A_234, %get3A_235] {strides = array<i32>} : memref<125x64xbf16, #tpu.memory_space<vmem>>, vector<32xbf16>,
        %unpack3A_237 = tpu.unpack_subelements %get3A_236, 0 {pack_format = #tpu.pack_format<interleaved>} : vector<32xbf16> -> vector<16xf32>
        %unpack3A_238 = tpu.unpack_subelements %get3A_236, 1 {pack_format = #tpu.pack_format<interleaved>} : vector<32xbf16> -> vector<16xf32>
        %swap3A_239 = arith.index_cast %add3A_225 : i32 to index
        %swap3A_240 = arith.constant 32 : index
        %swap3A_241 = tpu.vector_load %arg13[%swap3A_239, %swap3A_240] {strides = array<i32>} : memref<125x80xf32, #tpu.memory_space<vmem>>, vector<16xf32>,
        tpu.vector_store %arg13[%swap3A_239, %swap3A_240], %unpack3A_237 {strides = array<i32>} : memref<125x80xf32, #tpu.memory_space<vmem>>, vector<16xf32>,
        %swap3A_242 = arith.index_cast %add3A_225 : i32 to index
        %swap3A_243 = arith.constant 48 : index
        %swap3A_244 = tpu.vector_load %arg13[%swap3A_242, %swap3A_243] {strides = array<i32>} : memref<125x80xf32, #tpu.memory_space<vmem>>, vector<16xf32>,
        tpu.vector_store %arg13[%swap3A_242, %swap3A_243], %unpack3A_238 {strides = array<i32>} : memref<125x80xf32, #tpu.memory_space<vmem>>, vector<16xf32>,
        %mul3A_245 = arith.constant 5 : i32
        %mul3A_246 = arith.muli %scan3A_220, %mul3A_245 : i32
        %add3A_247 = arith.constant 1 : i32
        %add3A_248 = arith.addi %mul3A_246, %add3A_247 : i32
        %get3A_249 = arith.index_cast %add3A_248 : i32 to index
        %get3A_250 = arith.constant 0 : index
        %get3A_251 = tpu.vector_load %arg9[%get3A_249, %get3A_250] {strides = array<i32>} : memref<125x64xbf16, #tpu.memory_space<vmem>>, vector<32xbf16>,
        %unpack3A_252 = tpu.unpack_subelements %get3A_251, 0 {pack_format = #tpu.pack_format<interleaved>} : vector<32xbf16> -> vector<16xf32>
        %unpack3A_253 = tpu.unpack_subelements %get3A_251, 1 {pack_format = #tpu.pack_format<interleaved>} : vector<32xbf16> -> vector<16xf32>
        %swap3A_254 = arith.index_cast %add3A_248 : i32 to index
        %swap3A_255 = arith.constant 0 : index
        %swap3A_256 = tpu.vector_load %arg13[%swap3A_254, %swap3A_255] {strides = array<i32>} : memref<125x80xf32, #tpu.memory_space<vmem>>, vector<16xf32>,
        tpu.vector_store %arg13[%swap3A_254, %swap3A_255], %unpack3A_252 {strides = array<i32>} : memref<125x80xf32, #tpu.memory_space<vmem>>, vector<16xf32>,
        %swap3A_257 = arith.index_cast %add3A_248 : i32 to index
        %swap3A_258 = arith.constant 16 : index
        %swap3A_259 = tpu.vector_load %arg13[%swap3A_257, %swap3A_258] {strides = array<i32>} : memref<125x80xf32, #tpu.memory_space<vmem>>, vector<16xf32>,
        tpu.vector_store %arg13[%swap3A_257, %swap3A_258], %unpack3A_253 {strides = array<i32>} : memref<125x80xf32, #tpu.memory_space<vmem>>, vector<16xf32>,
        %get3A_260 = arith.index_cast %add3A_248 : i32 to index
        %get3A_261 = arith.constant 32 : index
        %get3A_262 = tpu.vector_load %arg9[%get3A_260, %get3A_261] {strides = array<i32>} : memref<125x64xbf16, #tpu.memory_space<vmem>>, vector<32xbf16>,
        %unpack3A_263 = tpu.unpack_subelements %get3A_262, 0 {pack_format = #tpu.pack_format<interleaved>} : vector<32xbf16> -> vector<16xf32>
        %unpack3A_264 = tpu.unpack_subelements %get3A_262, 1 {pack_format = #tpu.pack_format<interleaved>} : vector<32xbf16> -> vector<16xf32>
        %swap3A_265 = arith.index_cast %add3A_248 : i32 to index
        %swap3A_266 = arith.constant 32 : index
        %swap3A_267 = tpu.vector_load %arg13[%swap3A_265, %swap3A_266] {strides = array<i32>} : memref<125x80xf32, #tpu.memory_space<vmem>>, vector<16xf32>,
        tpu.vector_store %arg13[%swap3A_265, %swap3A_266], %unpack3A_263 {strides = array<i32>} : memref<125x80xf32, #tpu.memory_space<vmem>>, vector<16xf32>,
        %swap3A_268 = arith.index_cast %add3A_248 : i32 to index
        %swap3A_269 = arith.constant 48 : index
        %swap3A_270 = tpu.vector_load %arg13[%swap3A_268, %swap3A_269] {strides = array<i32>} : memref<125x80xf32, #tpu.memory_space<vmem>>, vector<16xf32>,
        tpu.vector_store %arg13[%swap3A_268, %swap3A_269], %unpack3A_264 {strides = array<i32>} : memref<125x80xf32, #tpu.memory_space<vmem>>, vector<16xf32>,
        %mul3A_271 = arith.constant 5 : i32
        %mul3A_272 = arith.muli %scan3A_220, %mul3A_271 : i32
        %add3A_273 = arith.constant 2 : i32
        %add3A_274 = arith.addi %mul3A_272, %add3A_273 : i32
        %get3A_275 = arith.index_cast %add3A_274 : i32 to index
        %get3A_276 = arith.constant 0 : index
        %get3A_277 = tpu.vector_load %arg9[%get3A_275, %get3A_276] {strides = array<i32>} : memref<125x64xbf16, #tpu.memory_space<vmem>>, vector<32xbf16>,
        %unpack3A_278 = tpu.unpack_subelements %get3A_277, 0 {pack_format = #tpu.pack_format<interleaved>} : vector<32xbf16> -> vector<16xf32>
        %unpack3A_279 = tpu.unpack_subelements %get3A_277, 1 {pack_format = #tpu.pack_format<interleaved>} : vector<32xbf16> -> vector<16xf32>
        %swap3A_280 = arith.index_cast %add3A_274 : i32 to index
        %swap3A_281 = arith.constant 0 : index
        %swap3A_282 = tpu.vector_load %arg13[%swap3A_280, %swap3A_281] {strides = array<i32>} : memref<125x80xf32, #tpu.memory_space<vmem>>, vector<16xf32>,
        tpu.vector_store %arg13[%swap3A_280, %swap3A_281], %unpack3A_278 {strides = array<i32>} : memref<125x80xf32, #tpu.memory_space<vmem>>, vector<16xf32>,
        %swap3A_283 = arith.index_cast %add3A_274 : i32 to index
        %swap3A_284 = arith.constant 16 : index
        %swap3A_285 = tpu.vector_load %arg13[%swap3A_283, %swap3A_284] {strides = array<i32>} : memref<125x80xf32, #tpu.memory_space<vmem>>, vector<16xf32>,
        tpu.vector_store %arg13[%swap3A_283, %swap3A_284], %unpack3A_279 {strides = array<i32>} : memref<125x80xf32, #tpu.memory_space<vmem>>, vector<16xf32>,
        %get3A_286 = arith.index_cast %add3A_274 : i32 to index
        %get3A_287 = arith.constant 32 : index
        %get3A_288 = tpu.vector_load %arg9[%get3A_286, %get3A_287] {strides = array<i32>} : memref<125x64xbf16, #tpu.memory_space<vmem>>, vector<32xbf16>,
        %unpack3A_289 = tpu.unpack_subelements %get3A_288, 0 {pack_format = #tpu.pack_format<interleaved>} : vector<32xbf16> -> vector<16xf32>
        %unpack3A_290 = tpu.unpack_subelements %get3A_288, 1 {pack_format = #tpu.pack_format<interleaved>} : vector<32xbf16> -> vector<16xf32>
        %swap3A_291 = arith.index_cast %add3A_274 : i32 to index
        %swap3A_292 = arith.constant 32 : index
        %swap3A_293 = tpu.vector_load %arg13[%swap3A_291, %swap3A_292] {strides = array<i32>} : memref<125x80xf32, #tpu.memory_space<vmem>>, vector<16xf32>,
        tpu.vector_store %arg13[%swap3A_291, %swap3A_292], %unpack3A_289 {strides = array<i32>} : memref<125x80xf32, #tpu.memory_space<vmem>>, vector<16xf32>,
        %swap3A_294 = arith.index_cast %add3A_274 : i32 to index
        %swap3A_295 = arith.constant 48 : index
        %swap3A_296 = tpu.vector_load %arg13[%swap3A_294, %swap3A_295] {strides = array<i32>} : memref<125x80xf32, #tpu.memory_space<vmem>>, vector<16xf32>,
        tpu.vector_store %arg13[%swap3A_294, %swap3A_295], %unpack3A_290 {strides = array<i32>} : memref<125x80xf32, #tpu.memory_space<vmem>>, vector<16xf32>,
        %mul3A_297 = arith.constant 5 : i32
        %mul3A_298 = arith.muli %scan3A_220, %mul3A_297 : i32
        %add3A_299 = arith.constant 3 : i32
        %add3A_300 = arith.addi %mul3A_298, %add3A_299 : i32
        %get3A_301 = arith.index_cast %add3A_300 : i32 to index
        %get3A_302 = arith.constant 0 : index
        %get3A_303 = tpu.vector_load %arg9[%get3A_301, %get3A_302] {strides = array<i32>} : memref<125x64xbf16, #tpu.memory_space<vmem>>, vector<32xbf16>,
        %unpack3A_304 = tpu.unpack_subelements %get3A_303, 0 {pack_format = #tpu.pack_format<interleaved>} : vector<32xbf16> -> vector<16xf32>
        %unpack3A_305 = tpu.unpack_subelements %get3A_303, 1 {pack_format = #tpu.pack_format<interleaved>} : vector<32xbf16> -> vector<16xf32>
        %swap3A_306 = arith.index_cast %add3A_300 : i32 to index
        %swap3A_307 = arith.constant 0 : index
        %swap3A_308 = tpu.vector_load %arg13[%swap3A_306, %swap3A_307] {strides = array<i32>} : memref<125x80xf32, #tpu.memory_space<vmem>>, vector<16xf32>,
        tpu.vector_store %arg13[%swap3A_306, %swap3A_307], %unpack3A_304 {strides = array<i32>} : memref<125x80xf32, #tpu.memory_space<vmem>>, vector<16xf32>,
        %swap3A_309 = arith.index_cast %add3A_300 : i32 to index
        %swap3A_310 = arith.constant 16 : index
        %swap3A_311 = tpu.vector_load %arg13[%swap3A_309, %swap3A_310] {strides = array<i32>} : memref<125x80xf32, #tpu.memory_space<vmem>>, vector<16xf32>,
        tpu.vector_store %arg13[%swap3A_309, %swap3A_310], %unpack3A_305 {strides = array<i32>} : memref<125x80xf32, #tpu.memory_space<vmem>>, vector<16xf32>,
        %get3A_312 = arith.index_cast %add3A_300 : i32 to index
        %get3A_313 = arith.constant 32 : index
        %get3A_314 = tpu.vector_load %arg9[%get3A_312, %get3A_313] {strides = array<i32>} : memref<125x64xbf16, #tpu.memory_space<vmem>>, vector<32xbf16>,
        %unpack3A_315 = tpu.unpack_subelements %get3A_314, 0 {pack_format = #tpu.pack_format<interleaved>} : vector<32xbf16> -> vector<16xf32>
        %unpack3A_316 = tpu.unpack_subelements %get3A_314, 1 {pack_format = #tpu.pack_format<interleaved>} : vector<32xbf16> -> vector<16xf32>
        %swap3A_317 = arith.index_cast %add3A_300 : i32 to index
        %swap3A_318 = arith.constant 32 : index
        %swap3A_319 = tpu.vector_load %arg13[%swap3A_317, %swap3A_318] {strides = array<i32>} : memref<125x80xf32, #tpu.memory_space<vmem>>, vector<16xf32>,
        tpu.vector_store %arg13[%swap3A_317, %swap3A_318], %unpack3A_315 {strides = array<i32>} : memref<125x80xf32, #tpu.memory_space<vmem>>, vector<16xf32>,
        %swap3A_320 = arith.index_cast %add3A_300 : i32 to index
        %swap3A_321 = arith.constant 48 : index
        %swap3A_322 = tpu.vector_load %arg13[%swap3A_320, %swap3A_321] {strides = array<i32>} : memref<125x80xf32, #tpu.memory_space<vmem>>, vector<16xf32>,
        tpu.vector_store %arg13[%swap3A_320, %swap3A_321], %unpack3A_316 {strides = array<i32>} : memref<125x80xf32, #tpu.memory_space<vmem>>, vector<16xf32>,
        %mul3A_323 = arith.constant 5 : i32
        %mul3A_324 = arith.muli %scan3A_220, %mul3A_323 : i32
        %add3A_325 = arith.constant 4 : i32
        %add3A_326 = arith.addi %mul3A_324, %add3A_325 : i32
        %get3A_327 = arith.index_cast %add3A_326 : i32 to index
        %get3A_328 = arith.constant 0 : index
        %get3A_329 = tpu.vector_load %arg9[%get3A_327, %get3A_328] {strides = array<i32>} : memref<125x64xbf16, #tpu.memory_space<vmem>>, vector<32xbf16>,
        %unpack3A_330 = tpu.unpack_subelements %get3A_329, 0 {pack_format = #tpu.pack_format<interleaved>} : vector<32xbf16> -> vector<16xf32>
        %unpack3A_331 = tpu.unpack_subelements %get3A_329, 1 {pack_format = #tpu.pack_format<interleaved>} : vector<32xbf16> -> vector<16xf32>
        %swap3A_332 = arith.index_cast %add3A_326 : i32 to index
        %swap3A_333 = arith.constant 0 : index
        %swap3A_334 = tpu.vector_load %arg13[%swap3A_332, %swap3A_333] {strides = array<i32>} : memref<125x80xf32, #tpu.memory_space<vmem>>, vector<16xf32>,
        tpu.vector_store %arg13[%swap3A_332, %swap3A_333], %unpack3A_330 {strides = array<i32>} : memref<125x80xf32, #tpu.memory_space<vmem>>, vector<16xf32>,
        %swap3A_335 = arith.index_cast %add3A_326 : i32 to index
        %swap3A_336 = arith.constant 16 : index
        %swap3A_337 = tpu.vector_load %arg13[%swap3A_335, %swap3A_336] {strides = array<i32>} : memref<125x80xf32, #tpu.memory_space<vmem>>, vector<16xf32>,
        tpu.vector_store %arg13[%swap3A_335, %swap3A_336], %unpack3A_331 {strides = array<i32>} : memref<125x80xf32, #tpu.memory_space<vmem>>, vector<16xf32>,
        %get3A_338 = arith.index_cast %add3A_326 : i32 to index
        %get3A_339 = arith.constant 32 : index
        %get3A_340 = tpu.vector_load %arg9[%get3A_338, %get3A_339] {strides = array<i32>} : memref<125x64xbf16, #tpu.memory_space<vmem>>, vector<32xbf16>,
        %unpack3A_341 = tpu.unpack_subelements %get3A_340, 0 {pack_format = #tpu.pack_format<interleaved>} : vector<32xbf16> -> vector<16xf32>
        %unpack3A_342 = tpu.unpack_subelements %get3A_340, 1 {pack_format = #tpu.pack_format<interleaved>} : vector<32xbf16> -> vector<16xf32>
        %swap3A_343 = arith.index_cast %add3A_326 : i32 to index
        %swap3A_344 = arith.constant 32 : index
        %swap3A_345 = tpu.vector_load %arg13[%swap3A_343, %swap3A_344] {strides = array<i32>} : memref<125x80xf32, #tpu.memory_space<vmem>>, vector<16xf32>,
        tpu.vector_store %arg13[%swap3A_343, %swap3A_344], %unpack3A_341 {strides = array<i32>} : memref<125x80xf32, #tpu.memory_space<vmem>>, vector<16xf32>,
        %swap3A_346 = arith.index_cast %add3A_326 : i32 to index
        %swap3A_347 = arith.constant 48 : index
        %swap3A_348 = tpu.vector_load %arg13[%swap3A_346, %swap3A_347] {strides = array<i32>} : memref<125x80xf32, #tpu.memory_space<vmem>>, vector<16xf32>,
        tpu.vector_store %arg13[%swap3A_346, %swap3A_347], %unpack3A_342 {strides = array<i32>} : memref<125x80xf32, #tpu.memory_space<vmem>>, vector<16xf32>,
        %scan3A_349 = arith.constant 0 : i32
        scf.yield %scan3A_349 : i32
      }
      %scan3A_135 = arith.constant 25 : i32
      %dma_start3A_136 = arith.constant 0 : i32
      %dma_start3A_137 = tpu.memref_slice %arg7[%add3A_117, %dma_start3A_136] : memref<160x125xi32, #tpu.memory_space<vmem>> -> memref<1x125xi32, #tpu.memory_space<vmem>>
      %dma_start3A_138 = tpu.memref_squeeze %dma_start3A_137 : memref<1x125xi32, #tpu.memory_space<vmem>> -> memref<125xi32, #tpu.memory_space<vmem>>
      %dma_start3A_139 = arith.constant 0 : i32
      %dma_start3A_140 = arith.constant 0 : i32
      %dma_start3A_141 = tpu.memref_slice %arg14[%dma_start3A_139, %dma_start3A_140] : memref<10016x80xf32, #tpu.memory_space<vmem_shared>> -> memref<10016x80xf32, #tpu.memory_space<vmem_shared>>
      tpu.enqueue_indirect_dma source(%arg13 : memref<125x80xf32, #tpu.memory_space<vmem>>) target(%dma_start3A_141 : memref<10016x80xf32, #tpu.memory_space<vmem_shared>>) offsets(%dma_start3A_138 : memref<125xi32, #tpu.memory_space<vmem>>) semaphore(%arg20 : memref<!tpu.dma_semaphore, #tpu.memory_space<semaphore_mem>>) {add = true}
      %add3A_142 = arith.constant 4 : i32
      %add3A_143 = arith.addi %add3A_117, %add3A_142 : i32
      %lt3A_144 = arith.constant 160 : i32
      %lt3A_145 = arith.cmpi slt, %add3A_143, %lt3A_144 : i32
      %convert_element_type3A_146 = arith.extui %lt3A_145 : i1 to i32
      %cond3A_147 = arith.constant 0 : i32
      %cond3A_148 = arith.cmpi ne, %convert_element_type3A_146, %cond3A_147 : i32
      scf.if %cond3A_148 {
        %add3A_220 = arith.constant 4 : i32
        %add3A_221 = arith.addi %add3A_117, %add3A_220 : i32
        %dma_start3A_222 = arith.constant 0 : i32
        %dma_start3A_223 = tpu.memref_slice %arg6[%add3A_221, %dma_start3A_222] : memref<160x125xi32, #tpu.memory_space<vmem>> -> memref<1x125xi32, #tpu.memory_space<vmem>>
        %dma_start3A_224 = tpu.memref_squeeze %dma_start3A_223 : memref<1x125xi32, #tpu.memory_space<vmem>> -> memref<125xi32, #tpu.memory_space<vmem>>
        %dma_start3A_225 = arith.constant 0 : i32
        %dma_start3A_226 = arith.constant 0 : i32
        %dma_start3A_227 = tpu.memref_slice %arg2[%dma_start3A_225, %dma_start3A_226] : memref<20000x64xbf16, #tpu.memory_space<hbm>> -> memref<20000x64xbf16, #tpu.memory_space<hbm>>
        tpu.enqueue_indirect_dma source(%dma_start3A_227 : memref<20000x64xbf16, #tpu.memory_space<hbm>>) target(%arg9 : memref<125x64xbf16, #tpu.memory_space<vmem>>) offsets(%dma_start3A_224 : memref<125xi32, #tpu.memory_space<vmem>>) semaphore(%arg16 : memref<!tpu.dma_semaphore, #tpu.memory_space<semaphore_mem>>)
      } else {
      }
      %mul3A_149 = arith.constant 4 : i32
      %mul3A_150 = arith.muli %scan3A_81, %mul3A_149 : i32
      %add3A_151 = arith.constant 2 : i32
      %add3A_152 = arith.addi %mul3A_150, %add3A_151 : i32
      %dma_wait3A_153 = arith.constant 0 : i32
      %dma_wait3A_154 = tpu.memref_slice %arg6[%add3A_152, %dma_wait3A_153] : memref<160x125xi32, #tpu.memory_space<vmem>> -> memref<1x125xi32, #tpu.memory_space<vmem>>
      %dma_wait3A_155 = tpu.memref_squeeze %dma_wait3A_154 : memref<1x125xi32, #tpu.memory_space<vmem>> -> memref<125xi32, #tpu.memory_space<vmem>>
      %dma_wait3A_156 = arith.constant 0 : i32
      %dma_wait3A_157 = arith.constant 0 : i32
      %dma_wait3A_158 = tpu.memref_slice %arg2[%dma_wait3A_156, %dma_wait3A_157] : memref<20000x64xbf16, #tpu.memory_space<hbm>> -> memref<20000x64xbf16, #tpu.memory_space<hbm>>
      tpu.wait_indirect_dma semaphore(%arg17 : memref<!tpu.dma_semaphore, #tpu.memory_space<semaphore_mem>>) src(%dma_wait3A_158 : memref<20000x64xbf16, #tpu.memory_space<hbm>>) dst(%arg10 : memref<125x64xbf16, #tpu.memory_space<vmem>>)
      %ge3A_159 = arith.constant 2 : i32
      %ge3A_160 = arith.cmpi sge, %add3A_152, %ge3A_159 : i32
      %convert_element_type3A_161 = arith.extui %ge3A_160 : i1 to i32
      %cond3A_162 = arith.constant 0 : i32
      %cond3A_163 = arith.cmpi ne, %convert_element_type3A_161, %cond3A_162 : i32
      scf.if %cond3A_163 {
        %sub3A_220 = arith.constant 2 : i32
        %sub3A_221 = arith.subi %add3A_152, %sub3A_220 : i32
        %dma_wait3A_222 = arith.constant 0 : i32
        %dma_wait3A_223 = tpu.memref_slice %arg7[%sub3A_221, %dma_wait3A_222] : memref<160x125xi32, #tpu.memory_space<vmem>> -> memref<1x125xi32, #tpu.memory_space<vmem>>
        %dma_wait3A_224 = tpu.memref_squeeze %dma_wait3A_223 : memref<1x125xi32, #tpu.memory_space<vmem>> -> memref<125xi32, #tpu.memory_space<vmem>>
        %dma_wait3A_225 = arith.constant 0 : i32
        %dma_wait3A_226 = arith.constant 0 : i32
        %dma_wait3A_227 = tpu.memref_slice %arg14[%dma_wait3A_225, %dma_wait3A_226] : memref<10016x80xf32, #tpu.memory_space<vmem_shared>> -> memref<10016x80xf32, #tpu.memory_space<vmem_shared>>
        tpu.wait_indirect_dma semaphore(%arg19 : memref<!tpu.dma_semaphore, #tpu.memory_space<semaphore_mem>>) src(%arg12 : memref<125x80xf32, #tpu.memory_space<vmem>>) dst(%dma_wait3A_227 : memref<10016x80xf32, #tpu.memory_space<vmem_shared>>)
      } else {
      }
      %scan3A_164 = arith.constant 0 : i32
      %scan3A_165 = arith.constant 0 : i32
      %scan3A_166 = arith.constant 25 : i32
      %scan3A_167 = arith.addi %scan3A_165, %scan3A_166 : i32
      %scan3A_168 = arith.constant 1 : i32
      %scan3A_169 = scf.for %scan3A_220 = %scan3A_165 to %scan3A_167 step %scan3A_168 iter_args(%scan3A_221 = %scan3A_164) -> (i32)  : i32 {
        %mul3A_222 = arith.constant 5 : i32
        %mul3A_223 = arith.muli %scan3A_220, %mul3A_222 : i32
        %add3A_224 = arith.constant 0 : i32
        %add3A_225 = arith.addi %mul3A_223, %add3A_224 : i32
        %get3A = arith.index_cast %add3A_225 : i32 to index
        %get3A_226 = arith.constant 0 : index
        %get3A_227 = tpu.vector_load %arg10[%get3A, %get3A_226] {strides = array<i32>} : memref<125x64xbf16, #tpu.memory_space<vmem>>, vector<32xbf16>,
        %unpack3A = tpu.unpack_subelements %get3A_227, 0 {pack_format = #tpu.pack_format<interleaved>} : vector<32xbf16> -> vector<16xf32>
        %unpack3A_228 = tpu.unpack_subelements %get3A_227, 1 {pack_format = #tpu.pack_format<interleaved>} : vector<32xbf16> -> vector<16xf32>
        %swap3A = arith.index_cast %add3A_225 : i32 to index
        %swap3A_229 = arith.constant 0 : index
        %swap3A_230 = tpu.vector_load %arg12[%swap3A, %swap3A_229] {strides = array<i32>} : memref<125x80xf32, #tpu.memory_space<vmem>>, vector<16xf32>,
        tpu.vector_store %arg12[%swap3A, %swap3A_229], %unpack3A {strides = array<i32>} : memref<125x80xf32, #tpu.memory_space<vmem>>, vector<16xf32>,
        %swap3A_231 = arith.index_cast %add3A_225 : i32 to index
        %swap3A_232 = arith.constant 16 : index
        %swap3A_233 = tpu.vector_load %arg12[%swap3A_231, %swap3A_232] {strides = array<i32>} : memref<125x80xf32, #tpu.memory_space<vmem>>, vector<16xf32>,
        tpu.vector_store %arg12[%swap3A_231, %swap3A_232], %unpack3A_228 {strides = array<i32>} : memref<125x80xf32, #tpu.memory_space<vmem>>, vector<16xf32>,
        %get3A_234 = arith.index_cast %add3A_225 : i32 to index
        %get3A_235 = arith.constant 32 : index
        %get3A_236 = tpu.vector_load %arg10[%get3A_234, %get3A_235] {strides = array<i32>} : memref<125x64xbf16, #tpu.memory_space<vmem>>, vector<32xbf16>,
        %unpack3A_237 = tpu.unpack_subelements %get3A_236, 0 {pack_format = #tpu.pack_format<interleaved>} : vector<32xbf16> -> vector<16xf32>
        %unpack3A_238 = tpu.unpack_subelements %get3A_236, 1 {pack_format = #tpu.pack_format<interleaved>} : vector<32xbf16> -> vector<16xf32>
        %swap3A_239 = arith.index_cast %add3A_225 : i32 to index
        %swap3A_240 = arith.constant 32 : index
        %swap3A_241 = tpu.vector_load %arg12[%swap3A_239, %swap3A_240] {strides = array<i32>} : memref<125x80xf32, #tpu.memory_space<vmem>>, vector<16xf32>,
        tpu.vector_store %arg12[%swap3A_239, %swap3A_240], %unpack3A_237 {strides = array<i32>} : memref<125x80xf32, #tpu.memory_space<vmem>>, vector<16xf32>,
        %swap3A_242 = arith.index_cast %add3A_225 : i32 to index
        %swap3A_243 = arith.constant 48 : index
        %swap3A_244 = tpu.vector_load %arg12[%swap3A_242, %swap3A_243] {strides = array<i32>} : memref<125x80xf32, #tpu.memory_space<vmem>>, vector<16xf32>,
        tpu.vector_store %arg12[%swap3A_242, %swap3A_243], %unpack3A_238 {strides = array<i32>} : memref<125x80xf32, #tpu.memory_space<vmem>>, vector<16xf32>,
        %mul3A_245 = arith.constant 5 : i32
        %mul3A_246 = arith.muli %scan3A_220, %mul3A_245 : i32
        %add3A_247 = arith.constant 1 : i32
        %add3A_248 = arith.addi %mul3A_246, %add3A_247 : i32
        %get3A_249 = arith.index_cast %add3A_248 : i32 to index
        %get3A_250 = arith.constant 0 : index
        %get3A_251 = tpu.vector_load %arg10[%get3A_249, %get3A_250] {strides = array<i32>} : memref<125x64xbf16, #tpu.memory_space<vmem>>, vector<32xbf16>,
        %unpack3A_252 = tpu.unpack_subelements %get3A_251, 0 {pack_format = #tpu.pack_format<interleaved>} : vector<32xbf16> -> vector<16xf32>
        %unpack3A_253 = tpu.unpack_subelements %get3A_251, 1 {pack_format = #tpu.pack_format<interleaved>} : vector<32xbf16> -> vector<16xf32>
        %swap3A_254 = arith.index_cast %add3A_248 : i32 to index
        %swap3A_255 = arith.constant 0 : index
        %swap3A_256 = tpu.vector_load %arg12[%swap3A_254, %swap3A_255] {strides = array<i32>} : memref<125x80xf32, #tpu.memory_space<vmem>>, vector<16xf32>,
        tpu.vector_store %arg12[%swap3A_254, %swap3A_255], %unpack3A_252 {strides = array<i32>} : memref<125x80xf32, #tpu.memory_space<vmem>>, vector<16xf32>,
        %swap3A_257 = arith.index_cast %add3A_248 : i32 to index
        %swap3A_258 = arith.constant 16 : index
        %swap3A_259 = tpu.vector_load %arg12[%swap3A_257, %swap3A_258] {strides = array<i32>} : memref<125x80xf32, #tpu.memory_space<vmem>>, vector<16xf32>,
        tpu.vector_store %arg12[%swap3A_257, %swap3A_258], %unpack3A_253 {strides = array<i32>} : memref<125x80xf32, #tpu.memory_space<vmem>>, vector<16xf32>,
        %get3A_260 = arith.index_cast %add3A_248 : i32 to index
        %get3A_261 = arith.constant 32 : index
        %get3A_262 = tpu.vector_load %arg10[%get3A_260, %get3A_261] {strides = array<i32>} : memref<125x64xbf16, #tpu.memory_space<vmem>>, vector<32xbf16>,
        %unpack3A_263 = tpu.unpack_subelements %get3A_262, 0 {pack_format = #tpu.pack_format<interleaved>} : vector<32xbf16> -> vector<16xf32>
        %unpack3A_264 = tpu.unpack_subelements %get3A_262, 1 {pack_format = #tpu.pack_format<interleaved>} : vector<32xbf16> -> vector<16xf32>
        %swap3A_265 = arith.index_cast %add3A_248 : i32 to index
        %swap3A_266 = arith.constant 32 : index
        %swap3A_267 = tpu.vector_load %arg12[%swap3A_265, %swap3A_266] {strides = array<i32>} : memref<125x80xf32, #tpu.memory_space<vmem>>, vector<16xf32>,
        tpu.vector_store %arg12[%swap3A_265, %swap3A_266], %unpack3A_263 {strides = array<i32>} : memref<125x80xf32, #tpu.memory_space<vmem>>, vector<16xf32>,
        %swap3A_268 = arith.index_cast %add3A_248 : i32 to index
        %swap3A_269 = arith.constant 48 : index
        %swap3A_270 = tpu.vector_load %arg12[%swap3A_268, %swap3A_269] {strides = array<i32>} : memref<125x80xf32, #tpu.memory_space<vmem>>, vector<16xf32>,
        tpu.vector_store %arg12[%swap3A_268, %swap3A_269], %unpack3A_264 {strides = array<i32>} : memref<125x80xf32, #tpu.memory_space<vmem>>, vector<16xf32>,
        %mul3A_271 = arith.constant 5 : i32
        %mul3A_272 = arith.muli %scan3A_220, %mul3A_271 : i32
        %add3A_273 = arith.constant 2 : i32
        %add3A_274 = arith.addi %mul3A_272, %add3A_273 : i32
        %get3A_275 = arith.index_cast %add3A_274 : i32 to index
        %get3A_276 = arith.constant 0 : index
        %get3A_277 = tpu.vector_load %arg10[%get3A_275, %get3A_276] {strides = array<i32>} : memref<125x64xbf16, #tpu.memory_space<vmem>>, vector<32xbf16>,
        %unpack3A_278 = tpu.unpack_subelements %get3A_277, 0 {pack_format = #tpu.pack_format<interleaved>} : vector<32xbf16> -> vector<16xf32>
        %unpack3A_279 = tpu.unpack_subelements %get3A_277, 1 {pack_format = #tpu.pack_format<interleaved>} : vector<32xbf16> -> vector<16xf32>
        %swap3A_280 = arith.index_cast %add3A_274 : i32 to index
        %swap3A_281 = arith.constant 0 : index
        %swap3A_282 = tpu.vector_load %arg12[%swap3A_280, %swap3A_281] {strides = array<i32>} : memref<125x80xf32, #tpu.memory_space<vmem>>, vector<16xf32>,
        tpu.vector_store %arg12[%swap3A_280, %swap3A_281], %unpack3A_278 {strides = array<i32>} : memref<125x80xf32, #tpu.memory_space<vmem>>, vector<16xf32>,
        %swap3A_283 = arith.index_cast %add3A_274 : i32 to index
        %swap3A_284 = arith.constant 16 : index
        %swap3A_285 = tpu.vector_load %arg12[%swap3A_283, %swap3A_284] {strides = array<i32>} : memref<125x80xf32, #tpu.memory_space<vmem>>, vector<16xf32>,
        tpu.vector_store %arg12[%swap3A_283, %swap3A_284], %unpack3A_279 {strides = array<i32>} : memref<125x80xf32, #tpu.memory_space<vmem>>, vector<16xf32>,
        %get3A_286 = arith.index_cast %add3A_274 : i32 to index
        %get3A_287 = arith.constant 32 : index
        %get3A_288 = tpu.vector_load %arg10[%get3A_286, %get3A_287] {strides = array<i32>} : memref<125x64xbf16, #tpu.memory_space<vmem>>, vector<32xbf16>,
        %unpack3A_289 = tpu.unpack_subelements %get3A_288, 0 {pack_format = #tpu.pack_format<interleaved>} : vector<32xbf16> -> vector<16xf32>
        %unpack3A_290 = tpu.unpack_subelements %get3A_288, 1 {pack_format = #tpu.pack_format<interleaved>} : vector<32xbf16> -> vector<16xf32>
        %swap3A_291 = arith.index_cast %add3A_274 : i32 to index
        %swap3A_292 = arith.constant 32 : index
        %swap3A_293 = tpu.vector_load %arg12[%swap3A_291, %swap3A_292] {strides = array<i32>} : memref<125x80xf32, #tpu.memory_space<vmem>>, vector<16xf32>,
        tpu.vector_store %arg12[%swap3A_291, %swap3A_292], %unpack3A_289 {strides = array<i32>} : memref<125x80xf32, #tpu.memory_space<vmem>>, vector<16xf32>,
        %swap3A_294 = arith.index_cast %add3A_274 : i32 to index
        %swap3A_295 = arith.constant 48 : index
        %swap3A_296 = tpu.vector_load %arg12[%swap3A_294, %swap3A_295] {strides = array<i32>} : memref<125x80xf32, #tpu.memory_space<vmem>>, vector<16xf32>,
        tpu.vector_store %arg12[%swap3A_294, %swap3A_295], %unpack3A_290 {strides = array<i32>} : memref<125x80xf32, #tpu.memory_space<vmem>>, vector<16xf32>,
        %mul3A_297 = arith.constant 5 : i32
        %mul3A_298 = arith.muli %scan3A_220, %mul3A_297 : i32
        %add3A_299 = arith.constant 3 : i32
        %add3A_300 = arith.addi %mul3A_298, %add3A_299 : i32
        %get3A_301 = arith.index_cast %add3A_300 : i32 to index
        %get3A_302 = arith.constant 0 : index
        %get3A_303 = tpu.vector_load %arg10[%get3A_301, %get3A_302] {strides = array<i32>} : memref<125x64xbf16, #tpu.memory_space<vmem>>, vector<32xbf16>,
        %unpack3A_304 = tpu.unpack_subelements %get3A_303, 0 {pack_format = #tpu.pack_format<interleaved>} : vector<32xbf16> -> vector<16xf32>
        %unpack3A_305 = tpu.unpack_subelements %get3A_303, 1 {pack_format = #tpu.pack_format<interleaved>} : vector<32xbf16> -> vector<16xf32>
        %swap3A_306 = arith.index_cast %add3A_300 : i32 to index
        %swap3A_307 = arith.constant 0 : index
        %swap3A_308 = tpu.vector_load %arg12[%swap3A_306, %swap3A_307] {strides = array<i32>} : memref<125x80xf32, #tpu.memory_space<vmem>>, vector<16xf32>,
        tpu.vector_store %arg12[%swap3A_306, %swap3A_307], %unpack3A_304 {strides = array<i32>} : memref<125x80xf32, #tpu.memory_space<vmem>>, vector<16xf32>,
        %swap3A_309 = arith.index_cast %add3A_300 : i32 to index
        %swap3A_310 = arith.constant 16 : index
        %swap3A_311 = tpu.vector_load %arg12[%swap3A_309, %swap3A_310] {strides = array<i32>} : memref<125x80xf32, #tpu.memory_space<vmem>>, vector<16xf32>,
        tpu.vector_store %arg12[%swap3A_309, %swap3A_310], %unpack3A_305 {strides = array<i32>} : memref<125x80xf32, #tpu.memory_space<vmem>>, vector<16xf32>,
        %get3A_312 = arith.index_cast %add3A_300 : i32 to index
        %get3A_313 = arith.constant 32 : index
        %get3A_314 = tpu.vector_load %arg10[%get3A_312, %get3A_313] {strides = array<i32>} : memref<125x64xbf16, #tpu.memory_space<vmem>>, vector<32xbf16>,
        %unpack3A_315 = tpu.unpack_subelements %get3A_314, 0 {pack_format = #tpu.pack_format<interleaved>} : vector<32xbf16> -> vector<16xf32>
        %unpack3A_316 = tpu.unpack_subelements %get3A_314, 1 {pack_format = #tpu.pack_format<interleaved>} : vector<32xbf16> -> vector<16xf32>
        %swap3A_317 = arith.index_cast %add3A_300 : i32 to index
        %swap3A_318 = arith.constant 32 : index
        %swap3A_319 = tpu.vector_load %arg12[%swap3A_317, %swap3A_318] {strides = array<i32>} : memref<125x80xf32, #tpu.memory_space<vmem>>, vector<16xf32>,
        tpu.vector_store %arg12[%swap3A_317, %swap3A_318], %unpack3A_315 {strides = array<i32>} : memref<125x80xf32, #tpu.memory_space<vmem>>, vector<16xf32>,
        %swap3A_320 = arith.index_cast %add3A_300 : i32 to index
        %swap3A_321 = arith.constant 48 : index
        %swap3A_322 = tpu.vector_load %arg12[%swap3A_320, %swap3A_321] {strides = array<i32>} : memref<125x80xf32, #tpu.memory_space<vmem>>, vector<16xf32>,
        tpu.vector_store %arg12[%swap3A_320, %swap3A_321], %unpack3A_316 {strides = array<i32>} : memref<125x80xf32, #tpu.memory_space<vmem>>, vector<16xf32>,
        %mul3A_323 = arith.constant 5 : i32
        %mul3A_324 = arith.muli %scan3A_220, %mul3A_323 : i32
        %add3A_325 = arith.constant 4 : i32
        %add3A_326 = arith.addi %mul3A_324, %add3A_325 : i32
        %get3A_327 = arith.index_cast %add3A_326 : i32 to index
        %get3A_328 = arith.constant 0 : index
        %get3A_329 = tpu.vector_load %arg10[%get3A_327, %get3A_328] {strides = array<i32>} : memref<125x64xbf16, #tpu.memory_space<vmem>>, vector<32xbf16>,
        %unpack3A_330 = tpu.unpack_subelements %get3A_329, 0 {pack_format = #tpu.pack_format<interleaved>} : vector<32xbf16> -> vector<16xf32>
        %unpack3A_331 = tpu.unpack_subelements %get3A_329, 1 {pack_format = #tpu.pack_format<interleaved>} : vector<32xbf16> -> vector<16xf32>
        %swap3A_332 = arith.index_cast %add3A_326 : i32 to index
        %swap3A_333 = arith.constant 0 : index
        %swap3A_334 = tpu.vector_load %arg12[%swap3A_332, %swap3A_333] {strides = array<i32>} : memref<125x80xf32, #tpu.memory_space<vmem>>, vector<16xf32>,
        tpu.vector_store %arg12[%swap3A_332, %swap3A_333], %unpack3A_330 {strides = array<i32>} : memref<125x80xf32, #tpu.memory_space<vmem>>, vector<16xf32>,
        %swap3A_335 = arith.index_cast %add3A_326 : i32 to index
        %swap3A_336 = arith.constant 16 : index
        %swap3A_337 = tpu.vector_load %arg12[%swap3A_335, %swap3A_336] {strides = array<i32>} : memref<125x80xf32, #tpu.memory_space<vmem>>, vector<16xf32>,
        tpu.vector_store %arg12[%swap3A_335, %swap3A_336], %unpack3A_331 {strides = array<i32>} : memref<125x80xf32, #tpu.memory_space<vmem>>, vector<16xf32>,
        %get3A_338 = arith.index_cast %add3A_326 : i32 to index
        %get3A_339 = arith.constant 32 : index
        %get3A_340 = tpu.vector_load %arg10[%get3A_338, %get3A_339] {strides = array<i32>} : memref<125x64xbf16, #tpu.memory_space<vmem>>, vector<32xbf16>,
        %unpack3A_341 = tpu.unpack_subelements %get3A_340, 0 {pack_format = #tpu.pack_format<interleaved>} : vector<32xbf16> -> vector<16xf32>
        %unpack3A_342 = tpu.unpack_subelements %get3A_340, 1 {pack_format = #tpu.pack_format<interleaved>} : vector<32xbf16> -> vector<16xf32>
        %swap3A_343 = arith.index_cast %add3A_326 : i32 to index
        %swap3A_344 = arith.constant 32 : index
        %swap3A_345 = tpu.vector_load %arg12[%swap3A_343, %swap3A_344] {strides = array<i32>} : memref<125x80xf32, #tpu.memory_space<vmem>>, vector<16xf32>,
        tpu.vector_store %arg12[%swap3A_343, %swap3A_344], %unpack3A_341 {strides = array<i32>} : memref<125x80xf32, #tpu.memory_space<vmem>>, vector<16xf32>,
        %swap3A_346 = arith.index_cast %add3A_326 : i32 to index
        %swap3A_347 = arith.constant 48 : index
        %swap3A_348 = tpu.vector_load %arg12[%swap3A_346, %swap3A_347] {strides = array<i32>} : memref<125x80xf32, #tpu.memory_space<vmem>>, vector<16xf32>,
        tpu.vector_store %arg12[%swap3A_346, %swap3A_347], %unpack3A_342 {strides = array<i32>} : memref<125x80xf32, #tpu.memory_space<vmem>>, vector<16xf32>,
        %scan3A_349 = arith.constant 0 : i32
        scf.yield %scan3A_349 : i32
      }
      %scan3A_170 = arith.constant 25 : i32
      %dma_start3A_171 = arith.constant 0 : i32
      %dma_start3A_172 = tpu.memref_slice %arg7[%add3A_152, %dma_start3A_171] : memref<160x125xi32, #tpu.memory_space<vmem>> -> memref<1x125xi32, #tpu.memory_space<vmem>>
      %dma_start3A_173 = tpu.memref_squeeze %dma_start3A_172 : memref<1x125xi32, #tpu.memory_space<vmem>> -> memref<125xi32, #tpu.memory_space<vmem>>
      %dma_start3A_174 = arith.constant 0 : i32
      %dma_start3A_175 = arith.constant 0 : i32
      %dma_start3A_176 = tpu.memref_slice %arg14[%dma_start3A_174, %dma_start3A_175] : memref<10016x80xf32, #tpu.memory_space<vmem_shared>> -> memref<10016x80xf32, #tpu.memory_space<vmem_shared>>
      tpu.enqueue_indirect_dma source(%arg12 : memref<125x80xf32, #tpu.memory_space<vmem>>) target(%dma_start3A_176 : memref<10016x80xf32, #tpu.memory_space<vmem_shared>>) offsets(%dma_start3A_173 : memref<125xi32, #tpu.memory_space<vmem>>) semaphore(%arg19 : memref<!tpu.dma_semaphore, #tpu.memory_space<semaphore_mem>>) {add = true}
      %add3A_177 = arith.constant 4 : i32
      %add3A_178 = arith.addi %add3A_152, %add3A_177 : i32
      %lt3A_179 = arith.constant 160 : i32
      %lt3A_180 = arith.cmpi slt, %add3A_178, %lt3A_179 : i32
      %convert_element_type3A_181 = arith.extui %lt3A_180 : i1 to i32
      %cond3A_182 = arith.constant 0 : i32
      %cond3A_183 = arith.cmpi ne, %convert_element_type3A_181, %cond3A_182 : i32
      scf.if %cond3A_183 {
        %add3A_220 = arith.constant 4 : i32
        %add3A_221 = arith.addi %add3A_152, %add3A_220 : i32
        %dma_start3A_222 = arith.constant 0 : i32
        %dma_start3A_223 = tpu.memref_slice %arg6[%add3A_221, %dma_start3A_222] : memref<160x125xi32, #tpu.memory_space<vmem>> -> memref<1x125xi32, #tpu.memory_space<vmem>>
        %dma_start3A_224 = tpu.memref_squeeze %dma_start3A_223 : memref<1x125xi32, #tpu.memory_space<vmem>> -> memref<125xi32, #tpu.memory_space<vmem>>
        %dma_start3A_225 = arith.constant 0 : i32
        %dma_start3A_226 = arith.constant 0 : i32
        %dma_start3A_227 = tpu.memref_slice %arg2[%dma_start3A_225, %dma_start3A_226] : memref<20000x64xbf16, #tpu.memory_space<hbm>> -> memref<20000x64xbf16, #tpu.memory_space<hbm>>
        tpu.enqueue_indirect_dma source(%dma_start3A_227 : memref<20000x64xbf16, #tpu.memory_space<hbm>>) target(%arg10 : memref<125x64xbf16, #tpu.memory_space<vmem>>) offsets(%dma_start3A_224 : memref<125xi32, #tpu.memory_space<vmem>>) semaphore(%arg17 : memref<!tpu.dma_semaphore, #tpu.memory_space<semaphore_mem>>)
      } else {
      }
      %mul3A_184 = arith.constant 4 : i32
      %mul3A_185 = arith.muli %scan3A_81, %mul3A_184 : i32
      %add3A_186 = arith.constant 3 : i32
      %add3A_187 = arith.addi %mul3A_185, %add3A_186 : i32
      %dma_wait3A_188 = arith.constant 0 : i32
      %dma_wait3A_189 = tpu.memref_slice %arg6[%add3A_187, %dma_wait3A_188] : memref<160x125xi32, #tpu.memory_space<vmem>> -> memref<1x125xi32, #tpu.memory_space<vmem>>
      %dma_wait3A_190 = tpu.memref_squeeze %dma_wait3A_189 : memref<1x125xi32, #tpu.memory_space<vmem>> -> memref<125xi32, #tpu.memory_space<vmem>>
      %dma_wait3A_191 = arith.constant 0 : i32
      %dma_wait3A_192 = arith.constant 0 : i32
      %dma_wait3A_193 = tpu.memref_slice %arg2[%dma_wait3A_191, %dma_wait3A_192] : memref<20000x64xbf16, #tpu.memory_space<hbm>> -> memref<20000x64xbf16, #tpu.memory_space<hbm>>
      tpu.wait_indirect_dma semaphore(%arg18 : memref<!tpu.dma_semaphore, #tpu.memory_space<semaphore_mem>>) src(%dma_wait3A_193 : memref<20000x64xbf16, #tpu.memory_space<hbm>>) dst(%arg11 : memref<125x64xbf16, #tpu.memory_space<vmem>>)
      %ge3A_194 = arith.constant 2 : i32
      %ge3A_195 = arith.cmpi sge, %add3A_187, %ge3A_194 : i32
      %convert_element_type3A_196 = arith.extui %ge3A_195 : i1 to i32
      %cond3A_197 = arith.constant 0 : i32
      %cond3A_198 = arith.cmpi ne, %convert_element_type3A_196, %cond3A_197 : i32
      scf.if %cond3A_198 {
        %sub3A_220 = arith.constant 2 : i32
        %sub3A_221 = arith.subi %add3A_187, %sub3A_220 : i32
        %dma_wait3A_222 = arith.constant 0 : i32
        %dma_wait3A_223 = tpu.memref_slice %arg7[%sub3A_221, %dma_wait3A_222] : memref<160x125xi32, #tpu.memory_space<vmem>> -> memref<1x125xi32, #tpu.memory_space<vmem>>
        %dma_wait3A_224 = tpu.memref_squeeze %dma_wait3A_223 : memref<1x125xi32, #tpu.memory_space<vmem>> -> memref<125xi32, #tpu.memory_space<vmem>>
        %dma_wait3A_225 = arith.constant 0 : i32
        %dma_wait3A_226 = arith.constant 0 : i32
        %dma_wait3A_227 = tpu.memref_slice %arg14[%dma_wait3A_225, %dma_wait3A_226] : memref<10016x80xf32, #tpu.memory_space<vmem_shared>> -> memref<10016x80xf32, #tpu.memory_space<vmem_shared>>
        tpu.wait_indirect_dma semaphore(%arg20 : memref<!tpu.dma_semaphore, #tpu.memory_space<semaphore_mem>>) src(%arg13 : memref<125x80xf32, #tpu.memory_space<vmem>>) dst(%dma_wait3A_227 : memref<10016x80xf32, #tpu.memory_space<vmem_shared>>)
      } else {
      }
      %scan3A_199 = arith.constant 0 : i32
      %scan3A_200 = arith.constant 0 : i32
      %scan3A_201 = arith.constant 25 : i32
      %scan3A_202 = arith.addi %scan3A_200, %scan3A_201 : i32
      %scan3A_203 = arith.constant 1 : i32
      %scan3A_204 = scf.for %scan3A_220 = %scan3A_200 to %scan3A_202 step %scan3A_203 iter_args(%scan3A_221 = %scan3A_199) -> (i32)  : i32 {
        %mul3A_222 = arith.constant 5 : i32
        %mul3A_223 = arith.muli %scan3A_220, %mul3A_222 : i32
        %add3A_224 = arith.constant 0 : i32
        %add3A_225 = arith.addi %mul3A_223, %add3A_224 : i32
        %get3A = arith.index_cast %add3A_225 : i32 to index
        %get3A_226 = arith.constant 0 : index
        %get3A_227 = tpu.vector_load %arg11[%get3A, %get3A_226] {strides = array<i32>} : memref<125x64xbf16, #tpu.memory_space<vmem>>, vector<32xbf16>,
        %unpack3A = tpu.unpack_subelements %get3A_227, 0 {pack_format = #tpu.pack_format<interleaved>} : vector<32xbf16> -> vector<16xf32>
        %unpack3A_228 = tpu.unpack_subelements %get3A_227, 1 {pack_format = #tpu.pack_format<interleaved>} : vector<32xbf16> -> vector<16xf32>
        %swap3A = arith.index_cast %add3A_225 : i32 to index
        %swap3A_229 = arith.constant 0 : index
        %swap3A_230 = tpu.vector_load %arg13[%swap3A, %swap3A_229] {strides = array<i32>} : memref<125x80xf32, #tpu.memory_space<vmem>>, vector<16xf32>,
        tpu.vector_store %arg13[%swap3A, %swap3A_229], %unpack3A {strides = array<i32>} : memref<125x80xf32, #tpu.memory_space<vmem>>, vector<16xf32>,
        %swap3A_231 = arith.index_cast %add3A_225 : i32 to index
        %swap3A_232 = arith.constant 16 : index
        %swap3A_233 = tpu.vector_load %arg13[%swap3A_231, %swap3A_232] {strides = array<i32>} : memref<125x80xf32, #tpu.memory_space<vmem>>, vector<16xf32>,
        tpu.vector_store %arg13[%swap3A_231, %swap3A_232], %unpack3A_228 {strides = array<i32>} : memref<125x80xf32, #tpu.memory_space<vmem>>, vector<16xf32>,
        %get3A_234 = arith.index_cast %add3A_225 : i32 to index
        %get3A_235 = arith.constant 32 : index
        %get3A_236 = tpu.vector_load %arg11[%get3A_234, %get3A_235] {strides = array<i32>} : memref<125x64xbf16, #tpu.memory_space<vmem>>, vector<32xbf16>,
        %unpack3A_237 = tpu.unpack_subelements %get3A_236, 0 {pack_format = #tpu.pack_format<interleaved>} : vector<32xbf16> -> vector<16xf32>
        %unpack3A_238 = tpu.unpack_subelements %get3A_236, 1 {pack_format = #tpu.pack_format<interleaved>} : vector<32xbf16> -> vector<16xf32>
        %swap3A_239 = arith.index_cast %add3A_225 : i32 to index
        %swap3A_240 = arith.constant 32 : index
        %swap3A_241 = tpu.vector_load %arg13[%swap3A_239, %swap3A_240] {strides = array<i32>} : memref<125x80xf32, #tpu.memory_space<vmem>>, vector<16xf32>,
        tpu.vector_store %arg13[%swap3A_239, %swap3A_240], %unpack3A_237 {strides = array<i32>} : memref<125x80xf32, #tpu.memory_space<vmem>>, vector<16xf32>,
        %swap3A_242 = arith.index_cast %add3A_225 : i32 to index
        %swap3A_243 = arith.constant 48 : index
        %swap3A_244 = tpu.vector_load %arg13[%swap3A_242, %swap3A_243] {strides = array<i32>} : memref<125x80xf32, #tpu.memory_space<vmem>>, vector<16xf32>,
        tpu.vector_store %arg13[%swap3A_242, %swap3A_243], %unpack3A_238 {strides = array<i32>} : memref<125x80xf32, #tpu.memory_space<vmem>>, vector<16xf32>,
        %mul3A_245 = arith.constant 5 : i32
        %mul3A_246 = arith.muli %scan3A_220, %mul3A_245 : i32
        %add3A_247 = arith.constant 1 : i32
        %add3A_248 = arith.addi %mul3A_246, %add3A_247 : i32
        %get3A_249 = arith.index_cast %add3A_248 : i32 to index
        %get3A_250 = arith.constant 0 : index
        %get3A_251 = tpu.vector_load %arg11[%get3A_249, %get3A_250] {strides = array<i32>} : memref<125x64xbf16, #tpu.memory_space<vmem>>, vector<32xbf16>,
        %unpack3A_252 = tpu.unpack_subelements %get3A_251, 0 {pack_format = #tpu.pack_format<interleaved>} : vector<32xbf16> -> vector<16xf32>
        %unpack3A_253 = tpu.unpack_subelements %get3A_251, 1 {pack_format = #tpu.pack_format<interleaved>} : vector<32xbf16> -> vector<16xf32>
        %swap3A_254 = arith.index_cast %add3A_248 : i32 to index
        %swap3A_255 = arith.constant 0 : index
        %swap3A_256 = tpu.vector_load %arg13[%swap3A_254, %swap3A_255] {strides = array<i32>} : memref<125x80xf32, #tpu.memory_space<vmem>>, vector<16xf32>,
        tpu.vector_store %arg13[%swap3A_254, %swap3A_255], %unpack3A_252 {strides = array<i32>} : memref<125x80xf32, #tpu.memory_space<vmem>>, vector<16xf32>,
        %swap3A_257 = arith.index_cast %add3A_248 : i32 to index
        %swap3A_258 = arith.constant 16 : index
        %swap3A_259 = tpu.vector_load %arg13[%swap3A_257, %swap3A_258] {strides = array<i32>} : memref<125x80xf32, #tpu.memory_space<vmem>>, vector<16xf32>,
        tpu.vector_store %arg13[%swap3A_257, %swap3A_258], %unpack3A_253 {strides = array<i32>} : memref<125x80xf32, #tpu.memory_space<vmem>>, vector<16xf32>,
        %get3A_260 = arith.index_cast %add3A_248 : i32 to index
        %get3A_261 = arith.constant 32 : index
        %get3A_262 = tpu.vector_load %arg11[%get3A_260, %get3A_261] {strides = array<i32>} : memref<125x64xbf16, #tpu.memory_space<vmem>>, vector<32xbf16>,
        %unpack3A_263 = tpu.unpack_subelements %get3A_262, 0 {pack_format = #tpu.pack_format<interleaved>} : vector<32xbf16> -> vector<16xf32>
        %unpack3A_264 = tpu.unpack_subelements %get3A_262, 1 {pack_format = #tpu.pack_format<interleaved>} : vector<32xbf16> -> vector<16xf32>
        %swap3A_265 = arith.index_cast %add3A_248 : i32 to index
        %swap3A_266 = arith.constant 32 : index
        %swap3A_267 = tpu.vector_load %arg13[%swap3A_265, %swap3A_266] {strides = array<i32>} : memref<125x80xf32, #tpu.memory_space<vmem>>, vector<16xf32>,
        tpu.vector_store %arg13[%swap3A_265, %swap3A_266], %unpack3A_263 {strides = array<i32>} : memref<125x80xf32, #tpu.memory_space<vmem>>, vector<16xf32>,
        %swap3A_268 = arith.index_cast %add3A_248 : i32 to index
        %swap3A_269 = arith.constant 48 : index
        %swap3A_270 = tpu.vector_load %arg13[%swap3A_268, %swap3A_269] {strides = array<i32>} : memref<125x80xf32, #tpu.memory_space<vmem>>, vector<16xf32>,
        tpu.vector_store %arg13[%swap3A_268, %swap3A_269], %unpack3A_264 {strides = array<i32>} : memref<125x80xf32, #tpu.memory_space<vmem>>, vector<16xf32>,
        %mul3A_271 = arith.constant 5 : i32
        %mul3A_272 = arith.muli %scan3A_220, %mul3A_271 : i32
        %add3A_273 = arith.constant 2 : i32
        %add3A_274 = arith.addi %mul3A_272, %add3A_273 : i32
        %get3A_275 = arith.index_cast %add3A_274 : i32 to index
        %get3A_276 = arith.constant 0 : index
        %get3A_277 = tpu.vector_load %arg11[%get3A_275, %get3A_276] {strides = array<i32>} : memref<125x64xbf16, #tpu.memory_space<vmem>>, vector<32xbf16>,
        %unpack3A_278 = tpu.unpack_subelements %get3A_277, 0 {pack_format = #tpu.pack_format<interleaved>} : vector<32xbf16> -> vector<16xf32>
        %unpack3A_279 = tpu.unpack_subelements %get3A_277, 1 {pack_format = #tpu.pack_format<interleaved>} : vector<32xbf16> -> vector<16xf32>
        %swap3A_280 = arith.index_cast %add3A_274 : i32 to index
        %swap3A_281 = arith.constant 0 : index
        %swap3A_282 = tpu.vector_load %arg13[%swap3A_280, %swap3A_281] {strides = array<i32>} : memref<125x80xf32, #tpu.memory_space<vmem>>, vector<16xf32>,
        tpu.vector_store %arg13[%swap3A_280, %swap3A_281], %unpack3A_278 {strides = array<i32>} : memref<125x80xf32, #tpu.memory_space<vmem>>, vector<16xf32>,
        %swap3A_283 = arith.index_cast %add3A_274 : i32 to index
        %swap3A_284 = arith.constant 16 : index
        %swap3A_285 = tpu.vector_load %arg13[%swap3A_283, %swap3A_284] {strides = array<i32>} : memref<125x80xf32, #tpu.memory_space<vmem>>, vector<16xf32>,
        tpu.vector_store %arg13[%swap3A_283, %swap3A_284], %unpack3A_279 {strides = array<i32>} : memref<125x80xf32, #tpu.memory_space<vmem>>, vector<16xf32>,
        %get3A_286 = arith.index_cast %add3A_274 : i32 to index
        %get3A_287 = arith.constant 32 : index
        %get3A_288 = tpu.vector_load %arg11[%get3A_286, %get3A_287] {strides = array<i32>} : memref<125x64xbf16, #tpu.memory_space<vmem>>, vector<32xbf16>,
        %unpack3A_289 = tpu.unpack_subelements %get3A_288, 0 {pack_format = #tpu.pack_format<interleaved>} : vector<32xbf16> -> vector<16xf32>
        %unpack3A_290 = tpu.unpack_subelements %get3A_288, 1 {pack_format = #tpu.pack_format<interleaved>} : vector<32xbf16> -> vector<16xf32>
        %swap3A_291 = arith.index_cast %add3A_274 : i32 to index
        %swap3A_292 = arith.constant 32 : index
        %swap3A_293 = tpu.vector_load %arg13[%swap3A_291, %swap3A_292] {strides = array<i32>} : memref<125x80xf32, #tpu.memory_space<vmem>>, vector<16xf32>,
        tpu.vector_store %arg13[%swap3A_291, %swap3A_292], %unpack3A_289 {strides = array<i32>} : memref<125x80xf32, #tpu.memory_space<vmem>>, vector<16xf32>,
        %swap3A_294 = arith.index_cast %add3A_274 : i32 to index
        %swap3A_295 = arith.constant 48 : index
        %swap3A_296 = tpu.vector_load %arg13[%swap3A_294, %swap3A_295] {strides = array<i32>} : memref<125x80xf32, #tpu.memory_space<vmem>>, vector<16xf32>,
        tpu.vector_store %arg13[%swap3A_294, %swap3A_295], %unpack3A_290 {strides = array<i32>} : memref<125x80xf32, #tpu.memory_space<vmem>>, vector<16xf32>,
        %mul3A_297 = arith.constant 5 : i32
        %mul3A_298 = arith.muli %scan3A_220, %mul3A_297 : i32
        %add3A_299 = arith.constant 3 : i32
        %add3A_300 = arith.addi %mul3A_298, %add3A_299 : i32
        %get3A_301 = arith.index_cast %add3A_300 : i32 to index
        %get3A_302 = arith.constant 0 : index
        %get3A_303 = tpu.vector_load %arg11[%get3A_301, %get3A_302] {strides = array<i32>} : memref<125x64xbf16, #tpu.memory_space<vmem>>, vector<32xbf16>,
        %unpack3A_304 = tpu.unpack_subelements %get3A_303, 0 {pack_format = #tpu.pack_format<interleaved>} : vector<32xbf16> -> vector<16xf32>
        %unpack3A_305 = tpu.unpack_subelements %get3A_303, 1 {pack_format = #tpu.pack_format<interleaved>} : vector<32xbf16> -> vector<16xf32>
        %swap3A_306 = arith.index_cast %add3A_300 : i32 to index
        %swap3A_307 = arith.constant 0 : index
        %swap3A_308 = tpu.vector_load %arg13[%swap3A_306, %swap3A_307] {strides = array<i32>} : memref<125x80xf32, #tpu.memory_space<vmem>>, vector<16xf32>,
        tpu.vector_store %arg13[%swap3A_306, %swap3A_307], %unpack3A_304 {strides = array<i32>} : memref<125x80xf32, #tpu.memory_space<vmem>>, vector<16xf32>,
        %swap3A_309 = arith.index_cast %add3A_300 : i32 to index
        %swap3A_310 = arith.constant 16 : index
        %swap3A_311 = tpu.vector_load %arg13[%swap3A_309, %swap3A_310] {strides = array<i32>} : memref<125x80xf32, #tpu.memory_space<vmem>>, vector<16xf32>,
        tpu.vector_store %arg13[%swap3A_309, %swap3A_310], %unpack3A_305 {strides = array<i32>} : memref<125x80xf32, #tpu.memory_space<vmem>>, vector<16xf32>,
        %get3A_312 = arith.index_cast %add3A_300 : i32 to index
        %get3A_313 = arith.constant 32 : index
        %get3A_314 = tpu.vector_load %arg11[%get3A_312, %get3A_313] {strides = array<i32>} : memref<125x64xbf16, #tpu.memory_space<vmem>>, vector<32xbf16>,
        %unpack3A_315 = tpu.unpack_subelements %get3A_314, 0 {pack_format = #tpu.pack_format<interleaved>} : vector<32xbf16> -> vector<16xf32>
        %unpack3A_316 = tpu.unpack_subelements %get3A_314, 1 {pack_format = #tpu.pack_format<interleaved>} : vector<32xbf16> -> vector<16xf32>
        %swap3A_317 = arith.index_cast %add3A_300 : i32 to index
        %swap3A_318 = arith.constant 32 : index
        %swap3A_319 = tpu.vector_load %arg13[%swap3A_317, %swap3A_318] {strides = array<i32>} : memref<125x80xf32, #tpu.memory_space<vmem>>, vector<16xf32>,
        tpu.vector_store %arg13[%swap3A_317, %swap3A_318], %unpack3A_315 {strides = array<i32>} : memref<125x80xf32, #tpu.memory_space<vmem>>, vector<16xf32>,
        %swap3A_320 = arith.index_cast %add3A_300 : i32 to index
        %swap3A_321 = arith.constant 48 : index
        %swap3A_322 = tpu.vector_load %arg13[%swap3A_320, %swap3A_321] {strides = array<i32>} : memref<125x80xf32, #tpu.memory_space<vmem>>, vector<16xf32>,
        tpu.vector_store %arg13[%swap3A_320, %swap3A_321], %unpack3A_316 {strides = array<i32>} : memref<125x80xf32, #tpu.memory_space<vmem>>, vector<16xf32>,
        %mul3A_323 = arith.constant 5 : i32
        %mul3A_324 = arith.muli %scan3A_220, %mul3A_323 : i32
        %add3A_325 = arith.constant 4 : i32
        %add3A_326 = arith.addi %mul3A_324, %add3A_325 : i32
        %get3A_327 = arith.index_cast %add3A_326 : i32 to index
        %get3A_328 = arith.constant 0 : index
        %get3A_329 = tpu.vector_load %arg11[%get3A_327, %get3A_328] {strides = array<i32>} : memref<125x64xbf16, #tpu.memory_space<vmem>>, vector<32xbf16>,
        %unpack3A_330 = tpu.unpack_subelements %get3A_329, 0 {pack_format = #tpu.pack_format<interleaved>} : vector<32xbf16> -> vector<16xf32>
        %unpack3A_331 = tpu.unpack_subelements %get3A_329, 1 {pack_format = #tpu.pack_format<interleaved>} : vector<32xbf16> -> vector<16xf32>
        %swap3A_332 = arith.index_cast %add3A_326 : i32 to index
        %swap3A_333 = arith.constant 0 : index
        %swap3A_334 = tpu.vector_load %arg13[%swap3A_332, %swap3A_333] {strides = array<i32>} : memref<125x80xf32, #tpu.memory_space<vmem>>, vector<16xf32>,
        tpu.vector_store %arg13[%swap3A_332, %swap3A_333], %unpack3A_330 {strides = array<i32>} : memref<125x80xf32, #tpu.memory_space<vmem>>, vector<16xf32>,
        %swap3A_335 = arith.index_cast %add3A_326 : i32 to index
        %swap3A_336 = arith.constant 16 : index
        %swap3A_337 = tpu.vector_load %arg13[%swap3A_335, %swap3A_336] {strides = array<i32>} : memref<125x80xf32, #tpu.memory_space<vmem>>, vector<16xf32>,
        tpu.vector_store %arg13[%swap3A_335, %swap3A_336], %unpack3A_331 {strides = array<i32>} : memref<125x80xf32, #tpu.memory_space<vmem>>, vector<16xf32>,
        %get3A_338 = arith.index_cast %add3A_326 : i32 to index
        %get3A_339 = arith.constant 32 : index
        %get3A_340 = tpu.vector_load %arg11[%get3A_338, %get3A_339] {strides = array<i32>} : memref<125x64xbf16, #tpu.memory_space<vmem>>, vector<32xbf16>,
        %unpack3A_341 = tpu.unpack_subelements %get3A_340, 0 {pack_format = #tpu.pack_format<interleaved>} : vector<32xbf16> -> vector<16xf32>
        %unpack3A_342 = tpu.unpack_subelements %get3A_340, 1 {pack_format = #tpu.pack_format<interleaved>} : vector<32xbf16> -> vector<16xf32>
        %swap3A_343 = arith.index_cast %add3A_326 : i32 to index
        %swap3A_344 = arith.constant 32 : index
        %swap3A_345 = tpu.vector_load %arg13[%swap3A_343, %swap3A_344] {strides = array<i32>} : memref<125x80xf32, #tpu.memory_space<vmem>>, vector<16xf32>,
        tpu.vector_store %arg13[%swap3A_343, %swap3A_344], %unpack3A_341 {strides = array<i32>} : memref<125x80xf32, #tpu.memory_space<vmem>>, vector<16xf32>,
        %swap3A_346 = arith.index_cast %add3A_326 : i32 to index
        %swap3A_347 = arith.constant 48 : index
        %swap3A_348 = tpu.vector_load %arg13[%swap3A_346, %swap3A_347] {strides = array<i32>} : memref<125x80xf32, #tpu.memory_space<vmem>>, vector<16xf32>,
        tpu.vector_store %arg13[%swap3A_346, %swap3A_347], %unpack3A_342 {strides = array<i32>} : memref<125x80xf32, #tpu.memory_space<vmem>>, vector<16xf32>,
        %scan3A_349 = arith.constant 0 : i32
        scf.yield %scan3A_349 : i32
      }
      %scan3A_205 = arith.constant 25 : i32
      %dma_start3A_206 = arith.constant 0 : i32
      %dma_start3A_207 = tpu.memref_slice %arg7[%add3A_187, %dma_start3A_206] : memref<160x125xi32, #tpu.memory_space<vmem>> -> memref<1x125xi32, #tpu.memory_space<vmem>>
      %dma_start3A_208 = tpu.memref_squeeze %dma_start3A_207 : memref<1x125xi32, #tpu.memory_space<vmem>> -> memref<125xi32, #tpu.memory_space<vmem>>
      %dma_start3A_209 = arith.constant 0 : i32
      %dma_start3A_210 = arith.constant 0 : i32
      %dma_start3A_211 = tpu.memref_slice %arg14[%dma_start3A_209, %dma_start3A_210] : memref<10016x80xf32, #tpu.memory_space<vmem_shared>> -> memref<10016x80xf32, #tpu.memory_space<vmem_shared>>
      tpu.enqueue_indirect_dma source(%arg13 : memref<125x80xf32, #tpu.memory_space<vmem>>) target(%dma_start3A_211 : memref<10016x80xf32, #tpu.memory_space<vmem_shared>>) offsets(%dma_start3A_208 : memref<125xi32, #tpu.memory_space<vmem>>) semaphore(%arg20 : memref<!tpu.dma_semaphore, #tpu.memory_space<semaphore_mem>>) {add = true}
      %add3A_212 = arith.constant 4 : i32
      %add3A_213 = arith.addi %add3A_187, %add3A_212 : i32
      %lt3A_214 = arith.constant 160 : i32
      %lt3A_215 = arith.cmpi slt, %add3A_213, %lt3A_214 : i32
      %convert_element_type3A_216 = arith.extui %lt3A_215 : i1 to i32
      %cond3A_217 = arith.constant 0 : i32
      %cond3A_218 = arith.cmpi ne, %convert_element_type3A_216, %cond3A_217 : i32
      scf.if %cond3A_218 {
        %add3A_220 = arith.constant 4 : i32
        %add3A_221 = arith.addi %add3A_187, %add3A_220 : i32
        %dma_start3A_222 = arith.constant 0 : i32
        %dma_start3A_223 = tpu.memref_slice %arg6[%add3A_221, %dma_start3A_222] : memref<160x125xi32, #tpu.memory_space<vmem>> -> memref<1x125xi32, #tpu.memory_space<vmem>>
        %dma_start3A_224 = tpu.memref_squeeze %dma_start3A_223 : memref<1x125xi32, #tpu.memory_space<vmem>> -> memref<125xi32, #tpu.memory_space<vmem>>
        %dma_start3A_225 = arith.constant 0 : i32
        %dma_start3A_226 = arith.constant 0 : i32
        %dma_start3A_227 = tpu.memref_slice %arg2[%dma_start3A_225, %dma_start3A_226] : memref<20000x64xbf16, #tpu.memory_space<hbm>> -> memref<20000x64xbf16, #tpu.memory_space<hbm>>
        tpu.enqueue_indirect_dma source(%dma_start3A_227 : memref<20000x64xbf16, #tpu.memory_space<hbm>>) target(%arg11 : memref<125x64xbf16, #tpu.memory_space<vmem>>) offsets(%dma_start3A_224 : memref<125xi32, #tpu.memory_space<vmem>>) semaphore(%arg18 : memref<!tpu.dma_semaphore, #tpu.memory_space<semaphore_mem>>)
      } else {
      }
      %scan3A_219 = arith.constant 0 : i32
      scf.yield %scan3A_219 : i32
    }
    %scan3A_66 = arith.constant 40 : i32
    %dma_wait3A = arith.constant 158 : i32
    %dma_wait3A_67 = arith.constant 0 : i32
    %dma_wait3A_68 = tpu.memref_slice %arg7[%dma_wait3A, %dma_wait3A_67] : memref<160x125xi32, #tpu.memory_space<vmem>> -> memref<1x125xi32, #tpu.memory_space<vmem>>
    %dma_wait3A_69 = tpu.memref_squeeze %dma_wait3A_68 : memref<1x125xi32, #tpu.memory_space<vmem>> -> memref<125xi32, #tpu.memory_space<vmem>>
    %dma_wait3A_70 = arith.constant 0 : i32
    %dma_wait3A_71 = arith.constant 0 : i32
    %dma_wait3A_72 = tpu.memref_slice %arg14[%dma_wait3A_70, %dma_wait3A_71] : memref<10016x80xf32, #tpu.memory_space<vmem_shared>> -> memref<10016x80xf32, #tpu.memory_space<vmem_shared>>
    tpu.wait_indirect_dma semaphore(%arg19 : memref<!tpu.dma_semaphore, #tpu.memory_space<semaphore_mem>>) src(%arg12 : memref<125x80xf32, #tpu.memory_space<vmem>>) dst(%dma_wait3A_72 : memref<10016x80xf32, #tpu.memory_space<vmem_shared>>)
    %dma_wait3A_73 = arith.constant 159 : i32
    %dma_wait3A_74 = arith.constant 0 : i32
    %dma_wait3A_75 = tpu.memref_slice %arg7[%dma_wait3A_73, %dma_wait3A_74] : memref<160x125xi32, #tpu.memory_space<vmem>> -> memref<1x125xi32, #tpu.memory_space<vmem>>
    %dma_wait3A_76 = tpu.memref_squeeze %dma_wait3A_75 : memref<1x125xi32, #tpu.memory_space<vmem>> -> memref<125xi32, #tpu.memory_space<vmem>>
    %dma_wait3A_77 = arith.constant 0 : i32
    %dma_wait3A_78 = arith.constant 0 : i32
    %dma_wait3A_79 = tpu.memref_slice %arg14[%dma_wait3A_77, %dma_wait3A_78] : memref<10016x80xf32, #tpu.memory_space<vmem_shared>> -> memref<10016x80xf32, #tpu.memory_space<vmem_shared>>
    tpu.wait_indirect_dma semaphore(%arg20 : memref<!tpu.dma_semaphore, #tpu.memory_space<semaphore_mem>>) src(%arg13 : memref<125x80xf32, #tpu.memory_space<vmem>>) dst(%dma_wait3A_79 : memref<10016x80xf32, #tpu.memory_space<vmem_shared>>)
    %barrier3A_80 = arith.constant 0 : index
    tpu.barrier barrier_id(%barrier3A_80)
    "tpu.region"() ({
      %run_scoped3A = tpu.sem_alloc : memref<!tpu.dma_semaphore, #tpu.memory_space<semaphore_mem>>
      %dma_start3A_81 = arith.constant 0 : i32
      %dma_start3A_82 = tpu.memref_slice %arg5[%arg0, %mul3A_35, %dma_start3A_81] : memref<2x10016x80xf32, #tpu.memory_space<hbm>> -> memref<1x626x80xf32, #tpu.memory_space<hbm>>
      %dma_start3A_83 = tpu.memref_squeeze %dma_start3A_82 : memref<1x626x80xf32, #tpu.memory_space<hbm>> -> memref<626x80xf32, #tpu.memory_space<hbm>>
      %dma_start3A_84 = arith.constant 0 : i32
      %dma_start3A_85 = tpu.memref_slice %arg14[%mul3A_35, %dma_start3A_84] : memref<10016x80xf32, #tpu.memory_space<vmem_shared>> -> memref<626x80xf32, #tpu.memory_space<vmem_shared>>
      tpu.enqueue_dma source(%dma_start3A_85 : memref<626x80xf32, #tpu.memory_space<vmem_shared>>) target(%dma_start3A_83 : memref<626x80xf32, #tpu.memory_space<hbm>>) target_semaphore(%run_scoped3A : memref<!tpu.dma_semaphore, #tpu.memory_space<semaphore_mem>>)
      %dma_wait3A_86 = arith.constant 0 : i32
      %dma_wait3A_87 = tpu.memref_slice %arg5[%arg0, %mul3A_35, %dma_wait3A_86] : memref<2x10016x80xf32, #tpu.memory_space<hbm>> -> memref<1x626x80xf32, #tpu.memory_space<hbm>>
      %dma_wait3A_88 = tpu.memref_squeeze %dma_wait3A_87 : memref<1x626x80xf32, #tpu.memory_space<hbm>> -> memref<626x80xf32, #tpu.memory_space<hbm>>
      %dma_wait3A_89 = arith.constant 0 : i32
      %dma_wait3A_90 = tpu.memref_slice %arg14[%mul3A_35, %dma_wait3A_89] : memref<10016x80xf32, #tpu.memory_space<vmem_shared>> -> memref<626x80xf32, #tpu.memory_space<vmem_shared>>
      tpu.wait_dma2 semaphore(%run_scoped3A : memref<!tpu.dma_semaphore, #tpu.memory_space<semaphore_mem>>) src(%dma_wait3A_90 : memref<626x80xf32, #tpu.memory_space<vmem_shared>>) dst(%dma_wait3A_88 : memref<626x80xf32, #tpu.memory_space<hbm>>)
      tpu.yield
    }) : () -> ()
    return
  }
}

module attributes {stable_mosaic.version = 14 : i64} {
  func.func @body(%arg0: i32, %arg1: memref<1x2000x80xf32, #tpu.memory_space<vmem>>, %arg2: memref<1x2000x80xf32, #tpu.memory_space<vmem>>, %arg3: memref<128x128xf32, #tpu.memory_space<vmem>>, %arg4: memref<1x128xf32, #tpu.memory_space<vmem>>, %arg5: memref<128x256xf32, #tpu.memory_space<vmem>>, %arg6: memref<1x256xf32, #tpu.memory_space<vmem>>, %arg7: memref<256x128xf32, #tpu.memory_space<vmem>>, %arg8: memref<1x128xf32, #tpu.memory_space<vmem>>, %arg9: memref<2000x128xf32, #tpu.memory_space<vmem>>) attributes {dimension_semantics = [#tpu.dimension_semantics<arbitrary>], iteration_bounds = array<i64: 5>, scalar_prefetch = 0 : i64, scratch_operands = 0 : i64, tpu.core_type = #tpu.core_type<tc>, window_params = [{transform_indices = @transform_0, window_bounds = array<i64: 1, 2000, 80>}, {transform_indices = @transform_1, window_bounds = array<i64: 1, 2000, 80>}, {pipeline_mode = #tpu.pipeline_mode<synchronous>, transform_indices = @transform_2, window_bounds = array<i64: 128, 128>}, {pipeline_mode = #tpu.pipeline_mode<synchronous>, transform_indices = @transform_3, window_bounds = array<i64: 1, 128>}, {pipeline_mode = #tpu.pipeline_mode<synchronous>, transform_indices = @transform_4, window_bounds = array<i64: 128, 256>}, {pipeline_mode = #tpu.pipeline_mode<synchronous>, transform_indices = @transform_5, window_bounds = array<i64: 1, 256>}, {pipeline_mode = #tpu.pipeline_mode<synchronous>, transform_indices = @transform_6, window_bounds = array<i64: 256, 128>}, {pipeline_mode = #tpu.pipeline_mode<synchronous>, transform_indices = @transform_7, window_bounds = array<i64: 1, 128>}, {transform_indices = @transform_8, window_bounds = array<i64: 2000, 128>}]} {
    %get3A = arith.constant 0 : index
    %get3A_0 = arith.constant 0 : index
    %get3A_1 = arith.constant 0 : index
    %get3A_2 = vector.load %arg1[%get3A, %get3A_0, %get3A_1] : memref<1x2000x80xf32, #tpu.memory_space<vmem>>, vector<1x2000x80xf32>
    %get3A_3 = vector.shape_cast %get3A_2 : vector<1x2000x80xf32> to vector<2000x80xf32>
    %get3A_4 = arith.constant 0 : index
    %get3A_5 = arith.constant 0 : index
    %get3A_6 = arith.constant 0 : index
    %get3A_7 = vector.load %arg2[%get3A_4, %get3A_5, %get3A_6] : memref<1x2000x80xf32, #tpu.memory_space<vmem>>, vector<1x2000x80xf32>
    %get3A_8 = vector.shape_cast %get3A_7 : vector<1x2000x80xf32> to vector<2000x80xf32>
    %slice3A = vector.extract_strided_slice %get3A_3 {offsets = [0, 64], sizes = [2000, 16], strides = [1, 1]} : vector<2000x80xf32> to vector<2000x16xf32>
    %reduce_sum3A = arith.constant dense<0.000000e+00> : vector<2000xf32>
    %reduce_sum3A_9 = vector.multi_reduction <add>, %slice3A, %reduce_sum3A [1] : vector<2000x16xf32> to vector<2000xf32>
    %broadcast_in_dim3A = vector.shape_cast %reduce_sum3A_9 : vector<2000xf32> to vector<2000x1xf32>
    %max3A = arith.constant 1.000000e+00 : f32
    %max3A_10 = vector.broadcast %max3A : f32 to vector<2000x1xf32>
    %max3A_11 = arith.maximumf %broadcast_in_dim3A, %max3A_10 : vector<2000x1xf32>
    %slice3A_12 = vector.extract_strided_slice %get3A_3 {offsets = [0, 0], sizes = [2000, 64], strides = [1, 1]} : vector<2000x80xf32> to vector<2000x64xf32>
    %get3A_13 = arith.constant 0 : index
    %get3A_14 = arith.constant 0 : index
    %get3A_15 = vector.load %arg3[%get3A_13, %get3A_14] : memref<128x128xf32, #tpu.memory_space<vmem>>, vector<64x128xf32>
    %dot_general3A = arith.constant dense<0.000000e+00> : vector<2000x128xf32>
    %dot_general3A_16 = tpu.matmul %slice3A_12, %get3A_15, %dot_general3A {dimension_numbers = #tpu.dot_dimension_numbers<[1], [0], [0], [1], [0, 0, 1, 1], [], []>, transpose_lhs_hint = false} : vector<2000x64xf32>, vector<64x128xf32>, vector<2000x128xf32> -> vector<2000x128xf32>
    %slice3A_17 = vector.extract_strided_slice %get3A_8 {offsets = [0, 0], sizes = [2000, 64], strides = [1, 1]} : vector<2000x80xf32> to vector<2000x64xf32>
    %get3A_18 = arith.constant 64 : index
    %get3A_19 = arith.constant 0 : index
    %get3A_20 = vector.load %arg3[%get3A_18, %get3A_19] : memref<128x128xf32, #tpu.memory_space<vmem>>, vector<64x128xf32>
    %dot_general3A_21 = arith.constant dense<0.000000e+00> : vector<2000x128xf32>
    %dot_general3A_22 = tpu.matmul %slice3A_17, %get3A_20, %dot_general3A_21 {dimension_numbers = #tpu.dot_dimension_numbers<[1], [0], [0], [1], [0, 0, 1, 1], [], []>, transpose_lhs_hint = false} : vector<2000x64xf32>, vector<64x128xf32>, vector<2000x128xf32> -> vector<2000x128xf32>
    %add3A = arith.addf %dot_general3A_16, %dot_general3A_22 : vector<2000x128xf32>
    %div3A = vector.broadcast %max3A_11 : vector<2000x1xf32> to vector<2000x128xf32>
    %div3A_23 = arith.divf %add3A, %div3A : vector<2000x128xf32>
    %get3A_24 = arith.constant 0 : index
    %get3A_25 = arith.constant 0 : index
    %get3A_26 = vector.load %arg4[%get3A_24, %get3A_25] : memref<1x128xf32, #tpu.memory_space<vmem>>, vector<1x128xf32>
    %add3A_27 = vector.broadcast %get3A_26 : vector<1x128xf32> to vector<2000x128xf32>
    %add3A_28 = arith.addf %div3A_23, %add3A_27 : vector<2000x128xf32>
    %max3A_29 = arith.constant 0.000000e+00 : f32
    %max3A_30 = vector.broadcast %max3A_29 : f32 to vector<2000x128xf32>
    %max3A_31 = arith.maximumf %add3A_28, %max3A_30 : vector<2000x128xf32>
    %get3A_32 = arith.constant 0 : index
    %get3A_33 = arith.constant 0 : index
    %get3A_34 = vector.load %arg5[%get3A_32, %get3A_33] : memref<128x256xf32, #tpu.memory_space<vmem>>, vector<128x256xf32>
    %dot_general3A_35 = arith.constant dense<0.000000e+00> : vector<2000x256xf32>
    %dot_general3A_36 = tpu.matmul %max3A_31, %get3A_34, %dot_general3A_35 {dimension_numbers = #tpu.dot_dimension_numbers<[1], [0], [0], [1], [0, 0, 1, 1], [], []>, transpose_lhs_hint = false} : vector<2000x128xf32>, vector<128x256xf32>, vector<2000x256xf32> -> vector<2000x256xf32>
    %get3A_37 = arith.constant 0 : index
    %get3A_38 = arith.constant 0 : index
    %get3A_39 = vector.load %arg6[%get3A_37, %get3A_38] : memref<1x256xf32, #tpu.memory_space<vmem>>, vector<1x256xf32>
    %add3A_40 = vector.broadcast %get3A_39 : vector<1x256xf32> to vector<2000x256xf32>
    %add3A_41 = arith.addf %dot_general3A_36, %add3A_40 : vector<2000x256xf32>
    %max3A_42 = arith.constant 0.000000e+00 : f32
    %max3A_43 = vector.broadcast %max3A_42 : f32 to vector<2000x256xf32>
    %max3A_44 = arith.maximumf %add3A_41, %max3A_43 : vector<2000x256xf32>
    %get3A_45 = arith.constant 0 : index
    %get3A_46 = arith.constant 0 : index
    %get3A_47 = vector.load %arg7[%get3A_45, %get3A_46] : memref<256x128xf32, #tpu.memory_space<vmem>>, vector<256x128xf32>
    %dot_general3A_48 = arith.constant dense<0.000000e+00> : vector<2000x128xf32>
    %dot_general3A_49 = tpu.matmul %max3A_44, %get3A_47, %dot_general3A_48 {dimension_numbers = #tpu.dot_dimension_numbers<[1], [0], [0], [1], [0, 0, 1, 1], [], []>, transpose_lhs_hint = false} : vector<2000x256xf32>, vector<256x128xf32>, vector<2000x128xf32> -> vector<2000x128xf32>
    %get3A_50 = arith.constant 0 : index
    %get3A_51 = arith.constant 0 : index
    %get3A_52 = vector.load %arg8[%get3A_50, %get3A_51] : memref<1x128xf32, #tpu.memory_space<vmem>>, vector<1x128xf32>
    %add3A_53 = vector.broadcast %get3A_52 : vector<1x128xf32> to vector<2000x128xf32>
    %add3A_54 = arith.addf %dot_general3A_49, %add3A_53 : vector<2000x128xf32>
    %swap3A = arith.constant 0 : index
    %swap3A_55 = arith.constant 0 : index
    %swap3A_56 = vector.load %arg9[%swap3A, %swap3A_55] : memref<2000x128xf32, #tpu.memory_space<vmem>>, vector<2000x128xf32>
    tpu.vector_store %arg9[%swap3A, %swap3A_55], %add3A_54 {strides = array<i32>} : memref<2000x128xf32, #tpu.memory_space<vmem>>, vector<2000x128xf32>,
    return
  }
  func.func @transform_0(%arg0: i32) -> (i32, i32, i32) {
    %c0_i32 = arith.constant 0 : i32
    %c0_i32_0 = arith.constant 0 : i32
    %c0_i32_1 = arith.constant 0 : i32
    return %c0_i32, %arg0, %c0_i32_0 : i32, i32, i32
  }
  func.func @transform_1(%arg0: i32) -> (i32, i32, i32) {
    %c1_i32 = arith.constant 1 : i32
    %c0_i32 = arith.constant 0 : i32
    %c0_i32_0 = arith.constant 0 : i32
    return %c1_i32, %arg0, %c0_i32 : i32, i32, i32
  }
  func.func @transform_2(%arg0: i32) -> (i32, i32) {
    %c0_i32 = arith.constant 0 : i32
    %c0_i32_0 = arith.constant 0 : i32
    %c0_i32_1 = arith.constant 0 : i32
    return %c0_i32, %c0_i32_0 : i32, i32
  }
  func.func @transform_3(%arg0: i32) -> (i32, i32) {
    %c0_i32 = arith.constant 0 : i32
    %c0_i32_0 = arith.constant 0 : i32
    %c0_i32_1 = arith.constant 0 : i32
    return %c0_i32, %c0_i32_0 : i32, i32
  }
  func.func @transform_4(%arg0: i32) -> (i32, i32) {
    %c0_i32 = arith.constant 0 : i32
    %c0_i32_0 = arith.constant 0 : i32
    %c0_i32_1 = arith.constant 0 : i32
    return %c0_i32, %c0_i32_0 : i32, i32
  }
  func.func @transform_5(%arg0: i32) -> (i32, i32) {
    %c0_i32 = arith.constant 0 : i32
    %c0_i32_0 = arith.constant 0 : i32
    %c0_i32_1 = arith.constant 0 : i32
    return %c0_i32, %c0_i32_0 : i32, i32
  }
  func.func @transform_6(%arg0: i32) -> (i32, i32) {
    %c0_i32 = arith.constant 0 : i32
    %c0_i32_0 = arith.constant 0 : i32
    %c0_i32_1 = arith.constant 0 : i32
    return %c0_i32, %c0_i32_0 : i32, i32
  }
  func.func @transform_7(%arg0: i32) -> (i32, i32) {
    %c0_i32 = arith.constant 0 : i32
    %c0_i32_0 = arith.constant 0 : i32
    %c0_i32_1 = arith.constant 0 : i32
    return %c0_i32, %c0_i32_0 : i32, i32
  }
  func.func @transform_8(%arg0: i32) -> (i32, i32) {
    %c0_i32 = arith.constant 0 : i32
    %c0_i32_0 = arith.constant 0 : i32
    return %arg0, %c0_i32 : i32, i32
  }
}

</mosaic_0001>

<sc_bundles>
// kernel: kernel.4.cloned.1.call-start
scs
__scs_entry_jumppad:
0x0: {  	(pc) =	sbr.rel $0x88, $3  }
0x1: {  	(tag) =	ssettag $0x0;
	lr =	simm.s32 $0x1  }
0x2: {  	[smem:$0x3F99] =	sst lr;
	_ =	strace $0xD0000000  }
0x3: {  	_ = 	snop  }
0x4: {  	_ = 	snop  }
0x5: {  	_ = 	snop  }
0x6: {  	_ = 	snop  }
0x7: {  	_ = 	snop  }
__scs_overlays_trampoline_lowered:
0x8: {  	[smem:$0x3FA8] =	sst s0  }
0x9: {  	[smem:$0x3FA9] =	sst s1  }
0xa: {  	[smem:$0x3FAA] =	sst s2  }
0xb: {  	[smem:$0x3FAB] =	sst s3  }
0xc: {  	[smem:$0x3FAC] =	sst s4  }
0xd: {  	[smem:$0x3FAD] =	sst s5  }
0xe: {  	[smem:$0x3FAE] =	sst s6  }
0xf: {  	[smem:$0x3FAF] =	sst s7  }
0x10: {  	[smem:$0x3FB0] =	sst s8  }
0x11: {  	[smem:$0x3FB1] =	sst s9;
	s0 =	simm.s32 @!p0 $0x0  }
0x12: {  	s1 =	sld [smem:$0x3F97];
	s0 =	simm.s32 @p0 $0x1  }
0x13: {  	[smem:$0x3FB2] =	sst s0;
	s0 =	simm.s32 @!p1 $0x0  }
0x14: {  	s2 =	sld [smem:$0x3F96];
	s0 =	simm.s32 @p1 $0x1  }
0x15: {  	[smem:$0x3FB3] =	sst s0;
	s0 =	simm.s32 @!p2 $0x0  }
0x16: {  	s3 =	sld [smem:$0x3FDB];
	s0 =	simm.s32 @p2 $0x1  }
0x17: {  	s4 =	simm.s32 $0x1BF5;
	[smem:$0x3FB5] =	sst s0  }
0x18: {  	s0 =	sld [smem:$0x3F98];
	_ =	swait.ge [sflag:s4], $0x0  }
0x19: {  	s7 =	sld [smem:$0x3F99]  }
0x1a: {  	s8 =	sadd.s32 $0xFFFFE003, lr  }
0x1b: {  	s9 =	sadd.s32 $0xFFFFFEF7, lr;
	s5 =	simm.s32 $0xFFFFFFFF;
	p2 =	slt.u32 s8, $0xFFFFF086  }
0x1c: {  	p1 =	slt.u32 s9, $0xF7A;
	s5 =	simm.s32 @!p2 $0x0  }
0x1d: {  	s5 =	simm.s32 @p1 $0x1;
	p0 =	seq.s32 s7, s2  }
0x1e: {  	s7 =	smul.u32 @!p0 $0xF7A, s2;
	p2 =	seq.s32 @!p0 s5, $0x0  }
0x1f: {  	s9 =	smul.u32 $0xF7A, s1;
	s8 =	simm.s32 @!p0 $0x1BF5;
	p2 =	por !p2, p0  }
0x20: {  	[sflag:s8] =	ssyncset.s32 @!p0 $0xFFFFF086;
	s6 =	sadd.s32 @!p0 s3, s7;
	s7 =	simm.s32 @!p0 $0x108  }
0x21: {  	s3 =	sadd.s32 s3, s9;
	s6 =	sadd.s32 @!p0 $0x88, s6;
	s7 =	simm.s32 @p2 $0x1082  }
0x22: {  	[simem:s7], [sflag:s8] =	dma.local @!p0 [hbm:s6], $0xF7A  }
0x23: {  	s9 =	sor.u32 $0xD0000000, s2;
	s6 =	simm.s32 $0x108;
	_ =	swait.ge @!p0 [sflag:s8], $0x0  }
0x24: {  	s3 =	sadd.s32 $0x88, s3;
	s6 =	simm.s32 @!p1 $0x1082;
	[sflag:s4] =	ssyncset.s32 $0xFFFFF086  }
0x25: {  	[simem:s6], [sflag:s4] =	dma.local [hbm:s3], $0xF7A  }
0x26: {  	[smem:$0x3F99] =	sst s1;
	(tag) =	ssettag s2;
	_ =	strace s9  }
0x27: {  	s1 =	sld [smem:$0x3FA9]  }
0x28: {  	s2 =	sld [smem:$0x3FAA]  }
0x29: {  	s4 =	sld [smem:$0x3FAC]  }
0x2a: {  	p0 =	seq.s32 s5, $0x0;
	s5 =	sld [smem:$0x3FAD]  }
0x2b: {  	s6 =	sld [smem:$0x3FAE]  }
0x2c: {  	s7 =	sld [smem:$0x3FAF]  }
0x2d: {  	s3 =	simm.s32 $0x108;
	s8 =	sld [smem:$0x3FB0]  }
0x2e: {  	s3 =	simm.s32 @!p0 $0x1082;
	s9 =	sld [smem:$0x3FB1]  }
0x2f: {  	lr =	sadd.s32 s0, s3;
	s0 =	sld [smem:$0x3FA8]  }
0x30: {  	s3 =	sld [smem:$0x3FAB]  }
0x31: {  	[smem:$0x3FB4] =	sst s10  }
0x32: {  	s10 =	sld [smem:$0x3FB2];
	_ =	sdelay $0x3  }
0x33: {  	p0 =	seq.s32 s10, $0x1;
	s10 =	sld [smem:$0x3FB4];
	_ =	sdelay $0x3  }
0x34: {  	[smem:$0x3FB4] =	sst s10  }
0x35: {  	s10 =	sld [smem:$0x3FB3];
	_ =	sdelay $0x3  }
0x36: {  	p1 =	seq.s32 s10, $0x1;
	s10 =	sld [smem:$0x3FB4];
	_ =	sdelay $0x3  }
0x37: {  	[smem:$0x3FB4] =	sst s10  }
0x38: {  	s10 =	sld [smem:$0x3FB5]  }
0x39: {  	_ = 	snop;
	(pc) =	sbr.ind lr, $3  }
0x3a: {  	_ = 	snop  }
0x3b: {  	_ = 	snop  }
0x3c: {  	p2 =	seq.s32 s10, $0x1;
	s10 =	sld [smem:$0x3FB4]  }
0x3d: {  	_ =	shalt  }
0x3e: {  	_ =	shalt  }
0x3f: {  	_ =	shalt  }
0x40: {  	_ =	shalt  }
0x41: {  	_ =	shalt  }
0x42: {  	_ =	shalt  }
0x43: {  	_ =	shalt  }
0x44: {  	_ =	shalt  }
0x45: {  	_ =	shalt  }
0x46: {  	_ =	shalt  }
0x47: {  	_ =	shalt  }
0x48: {  	_ =	shalt  }
0x49: {  	_ =	shalt  }
0x4a: {  	_ =	shalt  }
0x4b: {  	_ =	shalt  }
0x4c: {  	_ =	shalt  }
0x4d: {  	_ =	shalt  }
0x4e: {  	_ =	shalt  }
0x4f: {  	_ =	shalt  }
0x50: {  	_ =	shalt  }
0x51: {  	_ =	shalt  }
0x52: {  	_ =	shalt  }
0x53: {  	_ =	shalt  }
0x54: {  	_ =	shalt  }
0x55: {  	_ =	shalt  }
0x56: {  	_ =	shalt  }
0x57: {  	_ =	shalt  }
0x58: {  	_ =	shalt  }
0x59: {  	_ =	shalt  }
0x5a: {  	_ =	shalt  }
0x5b: {  	_ =	shalt  }
0x5c: {  	_ =	shalt  }
0x5d: {  	_ =	shalt  }
0x5e: {  	_ =	shalt  }
0x5f: {  	_ =	shalt  }
0x60: {  	_ =	shalt  }
0x61: {  	_ =	shalt  }
0x62: {  	_ =	shalt  }
0x63: {  	_ =	shalt  }
0x64: {  	_ =	shalt  }
0x65: {  	_ =	shalt  }
0x66: {  	_ =	shalt  }
0x67: {  	_ =	shalt  }
0x68: {  	_ =	shalt  }
0x69: {  	_ =	shalt  }
0x6a: {  	_ =	shalt  }
0x6b: {  	_ =	shalt  }
0x6c: {  	_ =	shalt  }
0x6d: {  	_ =	shalt  }
0x6e: {  	_ =	shalt  }
0x6f: {  	_ =	shalt  }
0x70: {  	_ =	shalt  }
0x71: {  	_ =	shalt  }
0x72: {  	_ =	shalt  }
0x73: {  	_ =	shalt  }
0x74: {  	_ =	shalt  }
0x75: {  	_ =	shalt  }
0x76: {  	_ =	shalt  }
0x77: {  	_ =	shalt  }
0x78: {  	_ =	shalt  }
0x79: {  	_ =	shalt  }
0x7a: {  	_ =	shalt  }
0x7b: {  	_ =	shalt  }
0x7c: {  	_ =	shalt  }
0x7d: {  	_ =	shalt  }
0x7e: {  	_ =	shalt  }
0x7f: {  	_ =	shalt  }
0x80: {  	_ =	shalt  }
0x81: {  	_ =	shalt  }
0x82: {  	_ =	shalt  }
0x83: {  	_ =	shalt  }
0x84: {  	_ =	shalt  }
0x85: {  	_ =	shalt  }
0x86: {  	_ =	shalt  }
0x87: {  	_ =	shalt  }
.Lfunc_end0:
.L_simem_size_0:
called_computation_lowered:
.L_overlay_start_0:
0x88: {  	s2 =	sld [smem:$0x3FD9]  }
0x89: {  	s3 =	sld [smem:$0x3FFE];
	_ =	sdelay $0x1  }
0x8a: {  	s1 =	srdreg.scid  }
0x8b: {  	s0 =	sand.u32 $0x1, s1  }
0x8c: {  	s17 =	sshll.u32 s0, $0xA;
	s2 =	sadd.s32 s3, s2  }
0x8d: {  	s2 =	sadd.s32 s2, s17  }
0x8e: {  	[smem:$0x3FC0] =	sst s2  }
0x8f: {  	_ = 	snop  }
0x90: {  	s2 =	sld [smem:$0x3FD0];
	(tm) =	ssettm $0x1  }
0x91: {  	s18 =	sld [smem:$0x3FFB];
	_ =	sdelay $0x3  }
0x92: {  	_ =	strace s18  }
0x93: {  	s3 =	sld [smem:$0x3FFC];
	_ =	sdelay $0x3  }
0x94: {  	_ =	strace s3  }
0x95: {  	s3 =	sld [smem:$0x3FFD];
	_ =	sdelay $0x3  }
0x96: {  	_ =	strace s3  }
0x97: {  	_ =	strace $0x8FFFFFFF  }
0x98: {  	s19 =	sld [smem:$0x3FDB];
	_ =	sdelay $0x1  }
0x99: {  	s4 =	simm.s32 $_scs_section_size  }
0x9a: {  	s5 =	simm.s32 $_size__tile_overlayer_lowered;
	s6 =	simm.s32 $_tile_overlayer_lowered  }
0x9b: {  	s22 =	simm.s32 $0x1BFF;
	s21 =	sshll.u32 s6, $0x1;
	s3 =	sadd.s32 s4, s19  }
0x9c: {  	s7 =	simm.s32 $0x0;
	s20 =	sshll.u32 s5, $0x1;
	s5 =	sadd.s32 s21, s3  }
0x9d: {  	[timem:s7], [sflag:s22] =	dma.local [hbm:s5], s20  }
0x9e: {  	_ =	swait.ge [sflag:s22], s20  }
0x9f: {  	s4 =	ssub.s32 $0x0, s20;
	[sflag:s22] =	ssyncset.done $0x0  }
0xa0: {  	[sflag:s22] =	ssyncadd.s32 s4;
	_ =	sdelay $0x1  }
0xa1: {  	s23 =	simm.s32 $0x1B8B  }
0xa2: {  	_ =	swait.ge [sflag:s23], $0x1  }
0xa3: {  	[sflag:s23] =	ssyncset.done $0x0  }
0xa4: {  	s25 =	simm.s32 $0x1B8E;
	s24 =	sld [smem:$0x3FFE];
	[sflag:s23] =	ssyncadd.s32 $0xFFFFFFFF  }
0xa5: {  	s26 =	simm.s32 $execute0_lowered;
	[smem:$0x3FD2] =	sst s25  }
0xa6: {  	s5 =	sshll.u32 s26, $0x1;
	_ =	strace $0x80000046;
	[dreg:$0x1] =	wrdreg $0xFFFFFFFF  }
0xa7: {  	s28 =	simm.s32 $_size_execute0_lowered;
	s3 =	sadd.s32 s3, s5;
	[dreg:$0x0] =	wrdreg $0x0  }
0xa8: {  	s5 =	sshll.u32 s28, $0x1;
	[dreg:$0x2] =	wrdreg s3  }
0xa9: {  	[dreg:$0x3] =	wrdreg s5  }
0xaa: {  	[dreg:$0x4] =	wrdreg $0xC0  }
0xab: {  	_ =	task [dreg:s7], $0x5FFFF  }
0xac: {  	[dreg:$0x1] =	wrdreg $0xFFFFFFFF  }
0xad: {  	[dreg:$0x0] =	wrdreg $0x60  }
0xae: {  	[dreg:$0x2] =	wrdreg s24  }
0xaf: {  	[dreg:$0x3] =	wrdreg s2  }
0xb0: {  	[dreg:$0x4] =	wrdreg $0x12CA00  }
0xb1: {  	[dreg:$0x5] =	wrdreg $0x9  }
0xb2: {  	_ =	task.clear_ibuf [dreg:s7], $0x6FFFF;
	_ =	strace $0x90000046  }
0xb3: {  	s29 =	simm.s32 $0x9;
	_ =	strace $0x80000048  }
0xb4: {  	_ =	swait.ge [sflag:s29], $0x1  }
0xb5: {  	[sflag:s29] =	ssyncadd.s32 $0xFFFFFFFF  }
0xb6: {  	_ =	strace $0x90000048  }
0xb7: {  	_ =	sfence  }
0xb8: {  	s30 =	sld [smem:$0x0];
	_ =	sdelay $0x2  }
0xb9: {  	s31 =	sshll.u32 s1, $0xD;
	s1 =	sshrl.u32 s1, $0x2  }
0xba: {  	s3 =	sand.u32 $0x4000, s31;
	s1 =	sadd.s32 s1, s30  }
0xbb: {  	s0 =	sor.u32 s3, s0;
	s1 =	sshll.u32 s1, $0x11  }
0xbc: {  	s0 =	sor.u32 s1, s0  }
0xbd: {  	s0 =	sadd.s32 $0x8F2B, s0  }
0xbe: {  	[sflag:s0] =	ssyncadd.remote.s32 $0x1  }
0xbf: {  	_ =	sfence.sel $0xFFFF  }
0xc0: {  	[dreg:$0x0] =	wrdreg $0xFFFFFFFF;
	(pc) =	sbr.abs _section_cstart, $3  }
0xc1: {  	[dreg:$0x1] =	wrdreg $0xFFFFFFFF  }
0xc2: {  	_ =	task.clear_ibuf [dreg:s7], $0x2FFFF;
	_ =	strace $0x9FFFFFFF  }
0xc3: {  	(tm) =	ssettm $0x7FFFFFFF  }
tec
execute0_lowered:
.L_overlay_start_1:
0x0: {  	(tag) =	ssettag $0x1  }
0x1: {  	s0 =	rddreg [dreg:$0x0]  }
0x2: {  	s1 =	rddreg [dreg:$0x1]  }
0x3: {  	s2 =	rddreg [dreg:$0x2]  }
0x4: {  	s10 =	stileid.u32;
	s4 =	srdreg.scid  }
0x5: {  	s3 =	simm.s32 $0x0;
	s15 =	simm.s32 $0x7;
	s17 =	simm.s32 $0x7D  }
0x6: {  	s18 =	simm.s32 $0xA000;
	s28 =	simm.s32 $0x2;
	s29 =	simm.s32 $0x6  }
0x7: {  	s30 =	simm.s32 $0x10590;
	s31 =	simm.s32 $0x3;
	s16 =	simm.s32 $0x4  }
0x8: {  	s19 =	simm.s32 $0x0;
	s5 =	smul.u32 $0xA00, s10;
	s6 =	sand.u32 $0x1, s4  }
0x9: {  	s7 =	smul.u32 $0xC3A0, s10;
	[smem:$0x7FF] =	sst s3;
	s4 =	sadd.s32 $0xB000, s0  }
0xa: {  	s8 =	smul.u32 $0xC3A00, s6;
	_ =	strace $0x80000047;
	s9 =	sshll.u32 s6, $0x4  }
0xb: {  	s6 =	ssub.s32 $0x2, s6;
	s5 =	sadd.s32 s5, s0;
	s9 =	sor.u32 s10, s9  }
0xc: {  	s10 =	smul.u32 $0x30E80, s10;
	s11 =	sshrl.u32 s6, $0x1;
	s8 =	sadd.s32 s7, s8  }
0xd: {  	s9 =	smul.u32 $0xA00, s9;
	s6 =	ssub.s32 s6, s11;
	s24 =	sadd.s32 $0x1000, s5  }
0xe: {  	s7 =	sadd.s32 s7, s2;
	s8 =	sshrl.u32 s8, $0x3;
	s23 =	sshrl.u32 s10, $0x2  }
0xf: {  	[dreg:$0x5] =	wrdreg s24;
	s14 =	smax.u32 s6, $0x1;
	s24 =	simm.s32 $0xCEE0  }
.Ltmp0:
0x10: {  	s1 =	sadd.s32 s1, s9;
	s25 =	sadd.s32 s23, s2;
	(pc) =	sbr.rel .LBB2_1-.Ltmp0, $4  }
0x11: {  	s0 =	sadd.s32 s8, s0;
	[dreg:$0x4] =	wrdreg s1;
	s26 =	sadd.s32 $0x2710, s25  }
0x12: {  	s9 =	sadd.s32 $0x4E20, s25;
	s10 =	sadd.s32 $0x7530, s25;
	s11 =	sadd.s32 $0x9C40, s25  }
0x13: {  	v0 =	vimm.f32 $0.0e+00;
	vm0 =	vcmask $0x300;
	s12 =	sadd.s32 $0xC350, s25;
	s13 =	sadd.s32 $0x1EA00, s0;
	s25 =	simm.s32 $0xDE80  }
0x14: {  	v1 =	vsel vm0, $0x3F800000, v0;
	s0 =	simm.s32 $0x5;
	[dreg:$0x6] =	wrdreg s26;
	s26 =	simm.s32 $0x1  }
.LBB2_20:
0x15: {  	_ =	swait.ge [sflag:s0], $0x2710  }
0x16: {  	[sflag:s0] =	ssyncset.done $0x0  }
0x17: {  	[sflag:s0] =	ssyncadd.s32 $0xFFFFD8F0  }
0x18: {  	s1 =	stileid.u32;
	_ =	swait.ge [sflag:s29], $0x2710  }
0x19: {  	s5 =	sshrl.u32 s7, $0x3;
	s19 =	sadd.s32 $0x1, s19;
	[sflag:s29] =	ssyncset.done $0x0  }
0x1a: {  	s1 =	sshll.u32 s1, $0x6;
	p0 =	sne.s32 s19, s14;
	[sflag:s29] =	ssyncadd.s32 $0xFFFFD8F0  }
.Ltmp1:
0x1b: {  	s1 =	sor.u32 $0x1C07, s1;
	[bflag:$0x0] =	sbarrier.arrive $0xFFFF;
	(pc) =	sbr.rel @!p0 .LBB2_21-.Ltmp1, $4  }
0x1c: {  	[hbm:s13], [sflag:s1] =	dma.local [spmem:s5], $0x1874  }
0x1d: {  	_ =	swait.ge [sflag:s15], $0x1874  }
0x1e: {  	[sflag:s15] =	ssyncset.done $0x0  }
0x1f: {  	[sflag:s15] =	ssyncadd.s32 $0xFFFFE78C  }
.LBB2_1:
0x20: {  	s1 =	rddreg [dreg:$0x4]  }
0x21: {  	[tilespmem:s3], [sflag:$0x7] =	stream.linear.gather [hbm4b:s1+s3], $0x5000, $0x38;
	[tilespmem:$0x1F040] =	vst v63  }
0x22: {  	_ =	swait.ge [sflag:s15], $0x5000  }
0x23: {  	[sflag:s15] =	ssyncset.done $0x0  }
0x24: {  	s5 =	simm.s32 $0x5000;
	s6 =	rddreg [dreg:$0x5];
	[sflag:s15] =	ssyncadd.s32 $0xFFFFB000  }
0x25: {  	[tilespmem:s5], [sflag:$0x7] =	stream.linear.gather [hbm4b:s6+s3], $0x5000, $0x38;
	[tilespmem:$0x1F040] =	vst v63  }
0x26: {  	_ =	swait.ge [sflag:s15], $0x5000  }
0x27: {  	[sflag:s15] =	ssyncset.done $0x0  }
0x28: {  	[sflag:s15] =	ssyncadd.s32 $0xFFFFB000  }
0x29: {  	[tilespmem:s18], [sflag:$0x1] =	stream.indirect.gather [hbm4b:s4+s17], $0x20, s3, s17, $0xb8;
	[tilespmem:$0x1F040] =	vst v63  }
0x2a: {  	s8 =	simm.s32 $0x80;
	s20 =	simm.s32 $0xAFA0  }
0x2b: {  	[tilespmem:s20], [sflag:$0x2] =	stream.indirect.gather [hbm4b:s4+s17], $0x20, s8, s17, $0xb8;
	[tilespmem:$0x1F040] =	vst v63  }
0x2c: {  	s21 =	simm.s32 $0x100;
	s22 =	simm.s32 $0xBF40  }
0x2d: {  	[tilespmem:s22], [sflag:$0x3] =	stream.indirect.gather [hbm4b:s4+s17], $0x20, s21, s17, $0xb8;
	[tilespmem:$0x1F040] =	vst v63  }
0x2e: {  	s23 =	simm.s32 $0x180;
	s1 =	simm.s32 $0x0;
	s5 =	simm.s32 $0x140  }
0x2f: {  	[tilespmem:s24], [sflag:$0x4] =	stream.indirect.gather [hbm4b:s4+s17], $0x20, s23, s17, $0xb8;
	[tilespmem:$0x1F040] =	vst v63  }
.LBB2_2:
0x30: {  	p0 =	sne.s32 s5, $0x9B00;
	[tilespmem:s1+$0xDEC0] =	vst v0;
	s6 =	smov.u32 s5;
	s5 =	sadd.s32 $0x140, s5  }
.Ltmp2:
0x31: {  	[tilespmem:s1+$0xDEB0] =	vst v0;
	(pc) =	sbr.rel @p0 .LBB2_2-.Ltmp2, $4  }
0x32: {  	[tilespmem:s1+$0xDEA0] =	vst v0  }
0x33: {  	[tilespmem:s1+$0xDE80] =	vst v0  }
0x34: {  	[tilespmem:s1+$0xDE90] =	vst v0  }
0x35: {  	s1 =	sshra.s32 s6, $0x2  }
0x36: {  	[tilespmem:s1+$0xDEC0] =	vst v0  }
0x37: {  	[tilespmem:s1+$0xDEB0] =	vst v0  }
0x38: {  	[tilespmem:s1+$0xDEA0] =	vst v0  }
0x39: {  	[tilespmem:s1+$0xDE80] =	vst v0  }
0x3a: {  	[tilespmem:s1+$0xDE90] =	vst v0  }
0x3b: {  	[spmem:s7] =	stream.linear.scatter [tilespmem:s25], [sflag:$0x7], $0x2710, $0x38;
	[tilespmem:$0x1F040] =	vst v63  }
0x3c: {  	_ =	swait.ge [sflag:s15], $0x2710  }
0x3d: {  	[sflag:s15] =	ssyncset.done $0x0  }
0x3e: {  	s23 =	rddreg [dreg:$0x6];
	[sflag:s15] =	ssyncadd.s32 $0xFFFFD8F0  }
0x3f: {  	[spmem:s23] =	stream.linear.scatter [tilespmem:s25], [sflag:$0x7], $0x2710, $0x38;
	[tilespmem:$0x1F040] =	vst v63  }
0x40: {  	_ =	swait.ge [sflag:s15], $0x2710  }
0x41: {  	[sflag:s15] =	ssyncset.done $0x0  }
0x42: {  	[sflag:s15] =	ssyncadd.s32 $0xFFFFD8F0  }
0x43: {  	[spmem:s9] =	stream.linear.scatter [tilespmem:s25], [sflag:$0x7], $0x2710, $0x38;
	[tilespmem:$0x1F040] =	vst v63  }
0x44: {  	_ =	swait.ge [sflag:s15], $0x2710  }
0x45: {  	[sflag:s15] =	ssyncset.done $0x0  }
0x46: {  	[sflag:s15] =	ssyncadd.s32 $0xFFFFD8F0  }
0x47: {  	[spmem:s10] =	stream.linear.scatter [tilespmem:s25], [sflag:$0x7], $0x2710, $0x38;
	[tilespmem:$0x1F040] =	vst v63  }
0x48: {  	_ =	swait.ge [sflag:s15], $0x2710  }
0x49: {  	[sflag:s15] =	ssyncset.done $0x0  }
0x4a: {  	[sflag:s15] =	ssyncadd.s32 $0xFFFFD8F0  }
0x4b: {  	[spmem:s11] =	stream.linear.scatter [tilespmem:s25], [sflag:$0x7], $0x2710, $0x38;
	[tilespmem:$0x1F040] =	vst v63  }
0x4c: {  	_ =	swait.ge [sflag:s15], $0x2710  }
0x4d: {  	[sflag:s15] =	ssyncset.done $0x0  }
0x4e: {  	[sflag:s15] =	ssyncadd.s32 $0xFFFFD8F0  }
0x4f: {  	[spmem:s12] =	stream.linear.scatter [tilespmem:s25], [sflag:$0x7], $0x50, $0x38;
	[tilespmem:$0x1F040] =	vst v63  }
0x50: {  	_ =	swait.ge [sflag:s15], $0x50  }
0x51: {  	[sflag:s15] =	ssyncset.done $0x0  }
0x52: {  	s1 =	simm.s32 $0x240;
	s5 =	simm.s32 $0x40;
	[sflag:s15] =	ssyncadd.s32 $0xFFFFFFB0  }
.LBB2_4:
0x53: {  	p0 =	sne.s32 s1, $0x9C00;
	[tilespmem:s5+$0xDE80] =	vst v1;
	s6 =	smov.u32 s1;
	s1 =	sadd.s32 $0x140, s1  }
.Ltmp3:
0x54: {  	[tilespmem:s5+$0x10590] =	vst v1;
	(pc) =	sbr.rel @p0 .LBB2_4-.Ltmp3, $2  }
0x55: {  	_ =	sdelay $0x2  }
0x56: {  	s5 =	sshra.s32 s6, $0x2  }
0x57: {  	[tilespmem:s5+$0xDE80] =	vst v1  }
0x58: {  	[tilespmem:s5+$0x10590] =	vst v1  }
0x59: {  	s20 =	simm.s32 $0x0;
	[bflag:$0x0] =	sbarrier.arrive $0xFFFF  }
.LBB2_6:
0x5a: {  	_ =	swait.ge [sflag:s26], $0xFA0  }
0x5b: {  	p0 =	seq.s32 s20, $0x0;
	[sflag:s26] =	ssyncset.done $0x0  }
0x5c: {  	s1 =	simm.s32 @!p0 $0x5;
	[sflag:s26] =	ssyncadd.s32 $0xFFFFF060  }
0x5d: {  	_ =	swait.ge @!p0 [sflag:s1], $0x2710  }
0x5e: {  	[sflag:s1] =	ssyncset.done @!p0 $0x0  }
0x5f: {  	s23 =	simm.s32 $0x0;
	[sflag:s1] =	ssyncadd.s32 @!p0 $0xFFFFD8F0  }
0x60: {  	v2 =	vld [tilespmem:s23+$0xA000];
	_ =	sdelay $0x4  }
0x61: {  	s21 =	simm.s32 $0xDF40;
	v3 =	vunpack.i.l.bf16.f32 v2  }
0x62: {  	v2 =	vunpack.i.u.bf16.f32 v2;
	[tilespmem:s21+$0xFFFFFF40] =	vst v3  }
0x63: {  	[tilespmem:s21+$0xFFFFFF50] =	vst v2  }
0x64: {  	v2 =	vld [tilespmem:s23+$0xA010];
	_ =	sdelay $0x4  }
0x65: {  	v3 =	vunpack.i.l.bf16.f32 v2  }
0x66: {  	v2 =	vunpack.i.u.bf16.f32 v2;
	[tilespmem:s21+$0xFFFFFF60] =	vst v3  }
0x67: {  	[tilespmem:s21+$0xFFFFFF70] =	vst v2  }
0x68: {  	v2 =	vld [tilespmem:s23+$0xA020];
	_ =	sdelay $0x4  }
0x69: {  	v3 =	vunpack.i.l.bf16.f32 v2  }
0x6a: {  	v2 =	vunpack.i.u.bf16.f32 v2;
	[tilespmem:s21+$0xFFFFFF90] =	vst v3  }
0x6b: {  	[tilespmem:s21+$0xFFFFFFA0] =	vst v2  }
0x6c: {  	v2 =	vld [tilespmem:s23+$0xA030];
	_ =	sdelay $0x4  }
0x6d: {  	v3 =	vunpack.i.l.bf16.f32 v2  }
0x6e: {  	v2 =	vunpack.i.u.bf16.f32 v2;
	[tilespmem:s21+$0xFFFFFFB0] =	vst v3  }
0x6f: {  	[tilespmem:s21+$0xFFFFFFC0] =	vst v2  }
0x70: {  	v2 =	vld [tilespmem:s23+$0xA040];
	_ =	sdelay $0x4  }
0x71: {  	v3 =	vunpack.i.l.bf16.f32 v2  }
0x72: {  	v2 =	vunpack.i.u.bf16.f32 v2;
	[tilespmem:s21+$0xFFFFFFE0] =	vst v3  }
0x73: {  	[tilespmem:s21+$0xFFFFFFF0] =	vst v2  }
0x74: {  	v2 =	vld [tilespmem:s23+$0xA050];
	_ =	sdelay $0x4  }
0x75: {  	v3 =	vunpack.i.l.bf16.f32 v2  }
0x76: {  	v2 =	vunpack.i.u.bf16.f32 v2;
	[tilespmem:s21+$0x0] =	vst v3  }
0x77: {  	[tilespmem:s21+$0x10] =	vst v2  }
0x78: {  	v2 =	vld [tilespmem:s23+$0xA060];
	_ =	sdelay $0x4  }
0x79: {  	v3 =	vunpack.i.l.bf16.f32 v2  }
0x7a: {  	v2 =	vunpack.i.u.bf16.f32 v2;
	[tilespmem:s21+$0x30] =	vst v3  }
0x7b: {  	[tilespmem:s21+$0x40] =	vst v2  }
0x7c: {  	v2 =	vld [tilespmem:s23+$0xA070];
	_ =	sdelay $0x4  }
0x7d: {  	v3 =	vunpack.i.l.bf16.f32 v2  }
0x7e: {  	v2 =	vunpack.i.u.bf16.f32 v2;
	[tilespmem:s21+$0x50] =	vst v3  }
0x7f: {  	[tilespmem:s21+$0x60] =	vst v2  }
0x80: {  	s22 =	sshll.u32 s20, $0xB;
	s5 =	simm.s32 $0x280;
	s1 =	simm.s32 $0xDF40;
	v2 =	vld [tilespmem:s23+$0xA080]  }
.LBB2_7:
0x81: {  	_ =	sdelay $0x2  }
0x82: {  	p1 =	sne.s32 s5, $0x3C00  }
0x83: {  	s21 =	sadd.s32 $0x190, s21;
	s6 =	smov.u32 s5;
	s5 =	sadd.s32 $0x280, s5;
	v3 =	vunpack.i.u.bf16.f32 v2;
	v2 =	vunpack.i.l.bf16.f32 v2  }
0x84: {  	[tilespmem:s1+$0x80] =	vst v2  }
0x85: {  	[tilespmem:s1+$0x90] =	vst v3  }
0x86: {  	v2 =	vld [tilespmem:s23+$0xA090];
	_ =	sdelay $0x4  }
0x87: {  	v3 =	vunpack.i.u.bf16.f32 v2;
	v2 =	vunpack.i.l.bf16.f32 v2  }
0x88: {  	[tilespmem:s1+$0xA0] =	vst v2  }
0x89: {  	s23 =	sshra.s32 s6, $0x2;
	[tilespmem:s1+$0xB0] =	vst v3;
	s1 =	smov.u32 s21  }
0x8a: {  	v2 =	vld [tilespmem:s23+$0xA000];
	_ =	sdelay $0x4  }
0x8b: {  	v3 =	vunpack.i.u.bf16.f32 v2;
	v2 =	vunpack.i.l.bf16.f32 v2  }
0x8c: {  	[tilespmem:s21+$0xFFFFFF40] =	vst v2  }
0x8d: {  	[tilespmem:s21+$0xFFFFFF50] =	vst v3  }
0x8e: {  	v2 =	vld [tilespmem:s23+$0xA010];
	_ =	sdelay $0x4  }
0x8f: {  	v3 =	vunpack.i.u.bf16.f32 v2;
	v2 =	vunpack.i.l.bf16.f32 v2  }
0x90: {  	[tilespmem:s21+$0xFFFFFF60] =	vst v2  }
0x91: {  	[tilespmem:s21+$0xFFFFFF70] =	vst v3  }
0x92: {  	v2 =	vld [tilespmem:s23+$0xA020];
	_ =	sdelay $0x4  }
0x93: {  	v3 =	vunpack.i.u.bf16.f32 v2;
	v2 =	vunpack.i.l.bf16.f32 v2  }
0x94: {  	[tilespmem:s21+$0xFFFFFF90] =	vst v2  }
0x95: {  	[tilespmem:s21+$0xFFFFFFA0] =	vst v3  }
0x96: {  	v2 =	vld [tilespmem:s23+$0xA030];
	_ =	sdelay $0x4  }
0x97: {  	v3 =	vunpack.i.u.bf16.f32 v2;
	v2 =	vunpack.i.l.bf16.f32 v2  }
0x98: {  	[tilespmem:s21+$0xFFFFFFB0] =	vst v2  }
0x99: {  	[tilespmem:s21+$0xFFFFFFC0] =	vst v3  }
0x9a: {  	v2 =	vld [tilespmem:s23+$0xA040];
	_ =	sdelay $0x4  }
0x9b: {  	v3 =	vunpack.i.u.bf16.f32 v2;
	v2 =	vunpack.i.l.bf16.f32 v2  }
0x9c: {  	[tilespmem:s21+$0xFFFFFFE0] =	vst v2  }
0x9d: {  	[tilespmem:s21+$0xFFFFFFF0] =	vst v3  }
0x9e: {  	v2 =	vld [tilespmem:s23+$0xA050];
	_ =	sdelay $0x4  }
0x9f: {  	v3 =	vunpack.i.u.bf16.f32 v2;
	v2 =	vunpack.i.l.bf16.f32 v2  }
0xa0: {  	[tilespmem:s21+$0x0] =	vst v2  }
0xa1: {  	[tilespmem:s21+$0x10] =	vst v3  }
0xa2: {  	v2 =	vld [tilespmem:s23+$0xA060];
	_ =	sdelay $0x4  }
0xa3: {  	v3 =	vunpack.i.u.bf16.f32 v2;
	v2 =	vunpack.i.l.bf16.f32 v2  }
0xa4: {  	[tilespmem:s21+$0x30] =	vst v2  }
0xa5: {  	[tilespmem:s21+$0x40] =	vst v3  }
0xa6: {  	v2 =	vld [tilespmem:s23+$0xA070];
	_ =	sdelay $0x3  }
.Ltmp4:
0xa7: {  	(pc) =	sbr.rel @p1 .LBB2_7-.Ltmp4, $4  }
0xa8: {  	v3 =	vunpack.i.u.bf16.f32 v2;
	v2 =	vunpack.i.l.bf16.f32 v2  }
0xa9: {  	[tilespmem:s21+$0x50] =	vst v2  }
0xaa: {  	[tilespmem:s21+$0x60] =	vst v3  }
0xab: {  	v2 =	vld [tilespmem:s23+$0xA080]  }
0xac: {  	_ =	sdelay $0x3  }
0xad: {  	v3 =	vunpack.i.l.bf16.f32 v2  }
0xae: {  	v2 =	vunpack.i.u.bf16.f32 v2;
	[tilespmem:s1+$0x80] =	vst v3  }
0xaf: {  	[tilespmem:s1+$0x90] =	vst v2  }
0xb0: {  	v2 =	vld [tilespmem:s23+$0xA090];
	_ =	sdelay $0x2  }
0xb1: {  	p1 =	sne.s32 s20, $0x27  }
.Ltmp5:
0xb2: {  	_ = 	snop;
	(pc) =	sbr.rel @p1 .LBB2_10-.Ltmp5, $4  }
0xb3: {  	v3 =	vunpack.i.l.bf16.f32 v2  }
0xb4: {  	s21 =	sshrl.u32 s22, $0x2;
	v2 =	vunpack.i.u.bf16.f32 v2;
	[tilespmem:s1+$0xA0] =	vst v3  }
0xb5: {  	s23 =	sadd.s32 $0x5000, s21;
	[tilespmem:s1+$0xB0] =	vst v2  }
0xb6: {  	[spmem:s2] =	stream.indirect.scatter.add.f32 [tilespmem:s25], [sflag:$0x5], $0x50, s23, s17, $0xb8;
	[tilespmem:$0x1F040] =	vst v63  }
.Ltmp6:
0xb7: {  	(pc) =	sbr.rel .LBB2_11-.Ltmp6, $4  }
0xb8: {  	_ = 	snop  }
0xb9: {  	_ =	swait.ge [sflag:s28], $0xFA0  }
0xba: {  	[sflag:s28] =	ssyncset.done $0x0  }
0xbb: {  	[sflag:s28] =	ssyncadd.s32 $0xFFFFF060  }
.LBB2_10:
.Ltmp7:
0xbc: {  	s1 =	sadd.s32 $0x200, s21;
	(pc) =	sbr.rel @p0 .LBB2_12-.Ltmp7, $4  }
0xbd: {  	[tilespmem:s18], [sflag:$0x1] =	stream.indirect.gather [hbm4b:s4+s17], $0x20, s1, s17, $0xb8;
	[tilespmem:$0x1F040] =	vst v63  }
0xbe: {  	_ =	swait.ge [sflag:s28], $0xFA0  }
0xbf: {  	[sflag:s28] =	ssyncset.done $0x0  }
0xc0: {  	[sflag:s28] =	ssyncadd.s32 $0xFFFFF060  }
.LBB2_11:
0xc1: {  	_ =	swait.ge [sflag:s29], $0x2710  }
0xc2: {  	[sflag:s29] =	ssyncset.done $0x0  }
0xc3: {  	[sflag:s29] =	ssyncadd.s32 $0xFFFFD8F0  }
.LBB2_12:
0xc4: {  	s1 =	simm.s32 $0x0  }
0xc5: {  	v2 =	vld [tilespmem:s1+$0xAFA0];
	_ =	sdelay $0x4  }
0xc6: {  	s23 =	simm.s32 $0x10650;
	v3 =	vunpack.i.l.bf16.f32 v2  }
0xc7: {  	v2 =	vunpack.i.u.bf16.f32 v2;
	[tilespmem:s23+$0xFFFFFF40] =	vst v3  }
0xc8: {  	[tilespmem:s23+$0xFFFFFF50] =	vst v2  }
0xc9: {  	v2 =	vld [tilespmem:s1+$0xAFB0];
	_ =	sdelay $0x4  }
0xca: {  	v3 =	vunpack.i.l.bf16.f32 v2  }
0xcb: {  	v2 =	vunpack.i.u.bf16.f32 v2;
	[tilespmem:s23+$0xFFFFFF60] =	vst v3  }
0xcc: {  	[tilespmem:s23+$0xFFFFFF70] =	vst v2  }
0xcd: {  	v2 =	vld [tilespmem:s1+$0xAFC0];
	_ =	sdelay $0x4  }
0xce: {  	v3 =	vunpack.i.l.bf16.f32 v2  }
0xcf: {  	v2 =	vunpack.i.u.bf16.f32 v2;
	[tilespmem:s23+$0xFFFFFF90] =	vst v3  }
0xd0: {  	[tilespmem:s23+$0xFFFFFFA0] =	vst v2  }
0xd1: {  	v2 =	vld [tilespmem:s1+$0xAFD0];
	_ =	sdelay $0x4  }
0xd2: {  	v3 =	vunpack.i.l.bf16.f32 v2  }
0xd3: {  	v2 =	vunpack.i.u.bf16.f32 v2;
	[tilespmem:s23+$0xFFFFFFB0] =	vst v3  }
0xd4: {  	[tilespmem:s23+$0xFFFFFFC0] =	vst v2  }
0xd5: {  	v2 =	vld [tilespmem:s1+$0xAFE0];
	_ =	sdelay $0x4  }
0xd6: {  	v3 =	vunpack.i.l.bf16.f32 v2  }
0xd7: {  	v2 =	vunpack.i.u.bf16.f32 v2;
	[tilespmem:s23+$0xFFFFFFE0] =	vst v3  }
0xd8: {  	[tilespmem:s23+$0xFFFFFFF0] =	vst v2  }
0xd9: {  	v2 =	vld [tilespmem:s1+$0xAFF0];
	_ =	sdelay $0x4  }
0xda: {  	v3 =	vunpack.i.l.bf16.f32 v2  }
0xdb: {  	v2 =	vunpack.i.u.bf16.f32 v2;
	[tilespmem:s23+$0x0] =	vst v3  }
0xdc: {  	[tilespmem:s23+$0x10] =	vst v2  }
0xdd: {  	v2 =	vld [tilespmem:s1+$0xB000];
	_ =	sdelay $0x4  }
0xde: {  	v3 =	vunpack.i.l.bf16.f32 v2  }
0xdf: {  	v2 =	vunpack.i.u.bf16.f32 v2;
	[tilespmem:s23+$0x30] =	vst v3  }
0xe0: {  	[tilespmem:s23+$0x40] =	vst v2  }
0xe1: {  	v2 =	vld [tilespmem:s1+$0xB010];
	_ =	sdelay $0x4  }
0xe2: {  	v3 =	vunpack.i.l.bf16.f32 v2  }
0xe3: {  	v2 =	vunpack.i.u.bf16.f32 v2;
	[tilespmem:s23+$0x50] =	vst v3  }
0xe4: {  	[tilespmem:s23+$0x60] =	vst v2  }
0xe5: {  	s6 =	simm.s32 $0x280;
	s5 =	simm.s32 $0x10650;
	v2 =	vld [tilespmem:s1+$0xB020]  }
.LBB2_13:
0xe6: {  	_ =	sdelay $0x2  }
0xe7: {  	p0 =	sne.s32 s6, $0x3C00  }
0xe8: {  	s23 =	sadd.s32 $0x190, s23;
	s8 =	smov.u32 s6;
	s6 =	sadd.s32 $0x280, s6;
	v3 =	vunpack.i.u.bf16.f32 v2;
	v2 =	vunpack.i.l.bf16.f32 v2  }
0xe9: {  	[tilespmem:s5+$0x80] =	vst v2  }
0xea: {  	[tilespmem:s5+$0x90] =	vst v3  }
0xeb: {  	v2 =	vld [tilespmem:s1+$0xB030];
	_ =	sdelay $0x4  }
0xec: {  	v3 =	vunpack.i.u.bf16.f32 v2;
	v2 =	vunpack.i.l.bf16.f32 v2  }
0xed: {  	[tilespmem:s5+$0xA0] =	vst v2  }
0xee: {  	s1 =	sshra.s32 s8, $0x2;
	[tilespmem:s5+$0xB0] =	vst v3;
	s5 =	smov.u32 s23  }
0xef: {  	v2 =	vld [tilespmem:s1+$0xAFA0];
	_ =	sdelay $0x4  }
0xf0: {  	v3 =	vunpack.i.u.bf16.f32 v2;
	v2 =	vunpack.i.l.bf16.f32 v2  }
0xf1: {  	[tilespmem:s23+$0xFFFFFF40] =	vst v2  }
0xf2: {  	[tilespmem:s23+$0xFFFFFF50] =	vst v3  }
0xf3: {  	v2 =	vld [tilespmem:s1+$0xAFB0];
	_ =	sdelay $0x4  }
0xf4: {  	v3 =	vunpack.i.u.bf16.f32 v2;
	v2 =	vunpack.i.l.bf16.f32 v2  }
0xf5: {  	[tilespmem:s23+$0xFFFFFF60] =	vst v2  }
0xf6: {  	[tilespmem:s23+$0xFFFFFF70] =	vst v3  }
0xf7: {  	v2 =	vld [tilespmem:s1+$0xAFC0];
	_ =	sdelay $0x4  }
0xf8: {  	v3 =	vunpack.i.u.bf16.f32 v2;
	v2 =	vunpack.i.l.bf16.f32 v2  }
0xf9: {  	[tilespmem:s23+$0xFFFFFF90] =	vst v2  }
0xfa: {  	[tilespmem:s23+$0xFFFFFFA0] =	vst v3  }
0xfb: {  	v2 =	vld [tilespmem:s1+$0xAFD0];
	_ =	sdelay $0x4  }
0xfc: {  	v3 =	vunpack.i.u.bf16.f32 v2;
	v2 =	vunpack.i.l.bf16.f32 v2  }
0xfd: {  	[tilespmem:s23+$0xFFFFFFB0] =	vst v2  }
0xfe: {  	[tilespmem:s23+$0xFFFFFFC0] =	vst v3  }
0xff: {  	v2 =	vld [tilespmem:s1+$0xAFE0];
	_ =	sdelay $0x4  }
0x100: {  	v3 =	vunpack.i.u.bf16.f32 v2;
	v2 =	vunpack.i.l.bf16.f32 v2  }
0x101: {  	[tilespmem:s23+$0xFFFFFFE0] =	vst v2  }
0x102: {  	[tilespmem:s23+$0xFFFFFFF0] =	vst v3  }
0x103: {  	v2 =	vld [tilespmem:s1+$0xAFF0];
	_ =	sdelay $0x4  }
0x104: {  	v3 =	vunpack.i.u.bf16.f32 v2;
	v2 =	vunpack.i.l.bf16.f32 v2  }
0x105: {  	[tilespmem:s23+$0x0] =	vst v2  }
0x106: {  	[tilespmem:s23+$0x10] =	vst v3  }
0x107: {  	v2 =	vld [tilespmem:s1+$0xB000];
	_ =	sdelay $0x4  }
0x108: {  	v3 =	vunpack.i.u.bf16.f32 v2;
	v2 =	vunpack.i.l.bf16.f32 v2  }
0x109: {  	[tilespmem:s23+$0x30] =	vst v2  }
0x10a: {  	[tilespmem:s23+$0x40] =	vst v3  }
0x10b: {  	v2 =	vld [tilespmem:s1+$0xB010];
	_ =	sdelay $0x3  }
.Ltmp8:
0x10c: {  	(pc) =	sbr.rel @p0 .LBB2_13-.Ltmp8, $4  }
0x10d: {  	v3 =	vunpack.i.u.bf16.f32 v2;
	v2 =	vunpack.i.l.bf16.f32 v2  }
0x10e: {  	[tilespmem:s23+$0x50] =	vst v2  }
0x10f: {  	[tilespmem:s23+$0x60] =	vst v3  }
0x110: {  	v2 =	vld [tilespmem:s1+$0xB020]  }
0x111: {  	_ =	sdelay $0x3  }
0x112: {  	v3 =	vunpack.i.l.bf16.f32 v2  }
0x113: {  	v2 =	vunpack.i.u.bf16.f32 v2;
	[tilespmem:s5+$0x80] =	vst v3  }
0x114: {  	[tilespmem:s5+$0x90] =	vst v2  }
0x115: {  	v2 =	vld [tilespmem:s1+$0xB030];
	_ =	sdelay $0x4  }
0x116: {  	v3 =	vunpack.i.l.bf16.f32 v2  }
0x117: {  	p0 =	seq.s32 s20, $0x27;
	v2 =	vunpack.i.u.bf16.f32 v2;
	[tilespmem:s5+$0xA0] =	vst v3  }
0x118: {  	s23 =	sadd.s32 $0x5080, s21;
	s22 =	sshrl.u32 @!p0 s22, $0x2;
	[tilespmem:s5+$0xB0] =	vst v2  }
0x119: {  	[spmem:s2] =	stream.indirect.scatter.add.f32 [tilespmem:s30], [sflag:$0x6], $0x50, s23, s17, $0xb8;
	[tilespmem:$0x1F040] =	vst v63  }
0x11a: {  	s6 =	simm.s32 @!p0 $0xAFA0;
	s1 =	sadd.s32 @!p0 $0x280, s22;
	s5 =	simm.s32 @!p0 $0x7D  }
0x11b: {  	[tilespmem:s6], [sflag:$0x2] =	stream.indirect.gather @!p0 [hbm4b:s4+s5], $0x20, s1, s5, $0xb8;
	[tilespmem:$0x1F040] =	vst v63  }
0x11c: {  	_ =	swait.ge [sflag:s31], $0xFA0  }
0x11d: {  	[sflag:s31] =	ssyncset.done $0x0  }
0x11e: {  	[sflag:s31] =	ssyncadd.s32 $0xFFFFF060  }
0x11f: {  	_ =	swait.ge [sflag:s0], $0x2710  }
0x120: {  	[sflag:s0] =	ssyncset.done $0x0  }
0x121: {  	s1 =	simm.s32 $0x0;
	[sflag:s0] =	ssyncadd.s32 $0xFFFFD8F0  }
0x122: {  	v2 =	vld [tilespmem:s1+$0xBF40];
	_ =	sdelay $0x4  }
0x123: {  	s23 =	simm.s32 $0xDF40;
	v3 =	vunpack.i.l.bf16.f32 v2  }
0x124: {  	v2 =	vunpack.i.u.bf16.f32 v2;
	[tilespmem:s23+$0xFFFFFF40] =	vst v3  }
0x125: {  	[tilespmem:s23+$0xFFFFFF50] =	vst v2  }
0x126: {  	v2 =	vld [tilespmem:s1+$0xBF50];
	_ =	sdelay $0x4  }
0x127: {  	v3 =	vunpack.i.l.bf16.f32 v2  }
0x128: {  	v2 =	vunpack.i.u.bf16.f32 v2;
	[tilespmem:s23+$0xFFFFFF60] =	vst v3  }
0x129: {  	[tilespmem:s23+$0xFFFFFF70] =	vst v2  }
0x12a: {  	v2 =	vld [tilespmem:s1+$0xBF60];
	_ =	sdelay $0x4  }
0x12b: {  	v3 =	vunpack.i.l.bf16.f32 v2  }
0x12c: {  	v2 =	vunpack.i.u.bf16.f32 v2;
	[tilespmem:s23+$0xFFFFFF90] =	vst v3  }
0x12d: {  	[tilespmem:s23+$0xFFFFFFA0] =	vst v2  }
0x12e: {  	v2 =	vld [tilespmem:s1+$0xBF70];
	_ =	sdelay $0x4  }
0x12f: {  	v3 =	vunpack.i.l.bf16.f32 v2  }
0x130: {  	v2 =	vunpack.i.u.bf16.f32 v2;
	[tilespmem:s23+$0xFFFFFFB0] =	vst v3  }
0x131: {  	[tilespmem:s23+$0xFFFFFFC0] =	vst v2  }
0x132: {  	v2 =	vld [tilespmem:s1+$0xBF80];
	_ =	sdelay $0x4  }
0x133: {  	v3 =	vunpack.i.l.bf16.f32 v2  }
0x134: {  	v2 =	vunpack.i.u.bf16.f32 v2;
	[tilespmem:s23+$0xFFFFFFE0] =	vst v3  }
0x135: {  	[tilespmem:s23+$0xFFFFFFF0] =	vst v2  }
0x136: {  	v2 =	vld [tilespmem:s1+$0xBF90];
	_ =	sdelay $0x4  }
0x137: {  	v3 =	vunpack.i.l.bf16.f32 v2  }
0x138: {  	v2 =	vunpack.i.u.bf16.f32 v2;
	[tilespmem:s23+$0x0] =	vst v3  }
0x139: {  	[tilespmem:s23+$0x10] =	vst v2  }
0x13a: {  	v2 =	vld [tilespmem:s1+$0xBFA0];
	_ =	sdelay $0x4  }
0x13b: {  	v3 =	vunpack.i.l.bf16.f32 v2  }
0x13c: {  	v2 =	vunpack.i.u.bf16.f32 v2;
	[tilespmem:s23+$0x30] =	vst v3  }
0x13d: {  	[tilespmem:s23+$0x40] =	vst v2  }
0x13e: {  	v2 =	vld [tilespmem:s1+$0xBFB0];
	_ =	sdelay $0x4  }
0x13f: {  	v3 =	vunpack.i.l.bf16.f32 v2  }
0x140: {  	v2 =	vunpack.i.u.bf16.f32 v2;
	[tilespmem:s23+$0x50] =	vst v3  }
0x141: {  	[tilespmem:s23+$0x60] =	vst v2  }
0x142: {  	s6 =	simm.s32 $0x280;
	s5 =	simm.s32 $0xDF40;
	v2 =	vld [tilespmem:s1+$0xBFC0]  }
.LBB2_15:
0x143: {  	_ =	sdelay $0x2  }
0x144: {  	p1 =	sne.s32 s6, $0x3C00  }
0x145: {  	s23 =	sadd.s32 $0x190, s23;
	s8 =	smov.u32 s6;
	s6 =	sadd.s32 $0x280, s6;
	v3 =	vunpack.i.u.bf16.f32 v2;
	v2 =	vunpack.i.l.bf16.f32 v2  }
0x146: {  	[tilespmem:s5+$0x80] =	vst v2  }
0x147: {  	[tilespmem:s5+$0x90] =	vst v3  }
0x148: {  	v2 =	vld [tilespmem:s1+$0xBFD0];
	_ =	sdelay $0x4  }
0x149: {  	v3 =	vunpack.i.u.bf16.f32 v2;
	v2 =	vunpack.i.l.bf16.f32 v2  }
0x14a: {  	[tilespmem:s5+$0xA0] =	vst v2  }
0x14b: {  	s1 =	sshra.s32 s8, $0x2;
	[tilespmem:s5+$0xB0] =	vst v3;
	s5 =	smov.u32 s23  }
0x14c: {  	v2 =	vld [tilespmem:s1+$0xBF40];
	_ =	sdelay $0x4  }
0x14d: {  	v3 =	vunpack.i.u.bf16.f32 v2;
	v2 =	vunpack.i.l.bf16.f32 v2  }
0x14e: {  	[tilespmem:s23+$0xFFFFFF40] =	vst v2  }
0x14f: {  	[tilespmem:s23+$0xFFFFFF50] =	vst v3  }
0x150: {  	v2 =	vld [tilespmem:s1+$0xBF50];
	_ =	sdelay $0x4  }
0x151: {  	v3 =	vunpack.i.u.bf16.f32 v2;
	v2 =	vunpack.i.l.bf16.f32 v2  }
0x152: {  	[tilespmem:s23+$0xFFFFFF60] =	vst v2  }
0x153: {  	[tilespmem:s23+$0xFFFFFF70] =	vst v3  }
0x154: {  	v2 =	vld [tilespmem:s1+$0xBF60];
	_ =	sdelay $0x4  }
0x155: {  	v3 =	vunpack.i.u.bf16.f32 v2;
	v2 =	vunpack.i.l.bf16.f32 v2  }
0x156: {  	[tilespmem:s23+$0xFFFFFF90] =	vst v2  }
0x157: {  	[tilespmem:s23+$0xFFFFFFA0] =	vst v3  }
0x158: {  	v2 =	vld [tilespmem:s1+$0xBF70];
	_ =	sdelay $0x4  }
0x159: {  	v3 =	vunpack.i.u.bf16.f32 v2;
	v2 =	vunpack.i.l.bf16.f32 v2  }
0x15a: {  	[tilespmem:s23+$0xFFFFFFB0] =	vst v2  }
0x15b: {  	[tilespmem:s23+$0xFFFFFFC0] =	vst v3  }
0x15c: {  	v2 =	vld [tilespmem:s1+$0xBF80];
	_ =	sdelay $0x4  }
0x15d: {  	v3 =	vunpack.i.u.bf16.f32 v2;
	v2 =	vunpack.i.l.bf16.f32 v2  }
0x15e: {  	[tilespmem:s23+$0xFFFFFFE0] =	vst v2  }
0x15f: {  	[tilespmem:s23+$0xFFFFFFF0] =	vst v3  }
0x160: {  	v2 =	vld [tilespmem:s1+$0xBF90];
	_ =	sdelay $0x4  }
0x161: {  	v3 =	vunpack.i.u.bf16.f32 v2;
	v2 =	vunpack.i.l.bf16.f32 v2  }
0x162: {  	[tilespmem:s23+$0x0] =	vst v2  }
0x163: {  	[tilespmem:s23+$0x10] =	vst v3  }
0x164: {  	v2 =	vld [tilespmem:s1+$0xBFA0];
	_ =	sdelay $0x4  }
0x165: {  	v3 =	vunpack.i.u.bf16.f32 v2;
	v2 =	vunpack.i.l.bf16.f32 v2  }
0x166: {  	[tilespmem:s23+$0x30] =	vst v2  }
0x167: {  	[tilespmem:s23+$0x40] =	vst v3  }
0x168: {  	v2 =	vld [tilespmem:s1+$0xBFB0];
	_ =	sdelay $0x3  }
.Ltmp9:
0x169: {  	(pc) =	sbr.rel @p1 .LBB2_15-.Ltmp9, $4  }
0x16a: {  	v3 =	vunpack.i.u.bf16.f32 v2;
	v2 =	vunpack.i.l.bf16.f32 v2  }
0x16b: {  	[tilespmem:s23+$0x50] =	vst v2  }
0x16c: {  	[tilespmem:s23+$0x60] =	vst v3  }
0x16d: {  	v2 =	vld [tilespmem:s1+$0xBFC0]  }
0x16e: {  	_ =	sdelay $0x3  }
0x16f: {  	v3 =	vunpack.i.l.bf16.f32 v2  }
0x170: {  	v2 =	vunpack.i.u.bf16.f32 v2;
	[tilespmem:s5+$0x80] =	vst v3  }
0x171: {  	[tilespmem:s5+$0x90] =	vst v2  }
0x172: {  	v2 =	vld [tilespmem:s1+$0xBFD0];
	_ =	sdelay $0x4  }
0x173: {  	v3 =	vunpack.i.l.bf16.f32 v2  }
0x174: {  	v2 =	vunpack.i.u.bf16.f32 v2;
	[tilespmem:s5+$0xA0] =	vst v3  }
0x175: {  	s23 =	sadd.s32 $0x5100, s21;
	[tilespmem:s5+$0xB0] =	vst v2  }
0x176: {  	[spmem:s2] =	stream.indirect.scatter.add.f32 [tilespmem:s25], [sflag:$0x5], $0x50, s23, s17, $0xb8;
	[tilespmem:$0x1F040] =	vst v63  }
0x177: {  	s6 =	simm.s32 @!p0 $0xBF40;
	s1 =	sadd.s32 @!p0 $0x300, s22;
	s5 =	simm.s32 @!p0 $0x7D  }
0x178: {  	[tilespmem:s6], [sflag:$0x3] =	stream.indirect.gather @!p0 [hbm4b:s4+s5], $0x20, s1, s5, $0xb8;
	[tilespmem:$0x1F040] =	vst v63  }
0x179: {  	_ =	swait.ge [sflag:s16], $0xFA0  }
0x17a: {  	[sflag:s16] =	ssyncset.done $0x0  }
0x17b: {  	[sflag:s16] =	ssyncadd.s32 $0xFFFFF060  }
0x17c: {  	_ =	swait.ge [sflag:s29], $0x2710  }
0x17d: {  	[sflag:s29] =	ssyncset.done $0x0  }
0x17e: {  	s1 =	simm.s32 $0x0;
	[sflag:s29] =	ssyncadd.s32 $0xFFFFD8F0  }
0x17f: {  	v2 =	vld [tilespmem:s1+$0xCEE0];
	_ =	sdelay $0x4  }
0x180: {  	s22 =	simm.s32 $0x10650;
	v3 =	vunpack.i.l.bf16.f32 v2  }
0x181: {  	v2 =	vunpack.i.u.bf16.f32 v2;
	[tilespmem:s22+$0xFFFFFF40] =	vst v3  }
0x182: {  	[tilespmem:s22+$0xFFFFFF50] =	vst v2  }
0x183: {  	v2 =	vld [tilespmem:s1+$0xCEF0];
	_ =	sdelay $0x4  }
0x184: {  	v3 =	vunpack.i.l.bf16.f32 v2  }
0x185: {  	v2 =	vunpack.i.u.bf16.f32 v2;
	[tilespmem:s22+$0xFFFFFF60] =	vst v3  }
0x186: {  	[tilespmem:s22+$0xFFFFFF70] =	vst v2  }
0x187: {  	v2 =	vld [tilespmem:s1+$0xCF00];
	_ =	sdelay $0x4  }
0x188: {  	v3 =	vunpack.i.l.bf16.f32 v2  }
0x189: {  	v2 =	vunpack.i.u.bf16.f32 v2;
	[tilespmem:s22+$0xFFFFFF90] =	vst v3  }
0x18a: {  	[tilespmem:s22+$0xFFFFFFA0] =	vst v2  }
0x18b: {  	v2 =	vld [tilespmem:s1+$0xCF10];
	_ =	sdelay $0x4  }
0x18c: {  	v3 =	vunpack.i.l.bf16.f32 v2  }
0x18d: {  	v2 =	vunpack.i.u.bf16.f32 v2;
	[tilespmem:s22+$0xFFFFFFB0] =	vst v3  }
0x18e: {  	[tilespmem:s22+$0xFFFFFFC0] =	vst v2  }
0x18f: {  	v2 =	vld [tilespmem:s1+$0xCF20];
	_ =	sdelay $0x4  }
0x190: {  	v3 =	vunpack.i.l.bf16.f32 v2  }
0x191: {  	v2 =	vunpack.i.u.bf16.f32 v2;
	[tilespmem:s22+$0xFFFFFFE0] =	vst v3  }
0x192: {  	[tilespmem:s22+$0xFFFFFFF0] =	vst v2  }
0x193: {  	v2 =	vld [tilespmem:s1+$0xCF30];
	_ =	sdelay $0x4  }
0x194: {  	v3 =	vunpack.i.l.bf16.f32 v2  }
0x195: {  	v2 =	vunpack.i.u.bf16.f32 v2;
	[tilespmem:s22+$0x0] =	vst v3  }
0x196: {  	[tilespmem:s22+$0x10] =	vst v2  }
0x197: {  	v2 =	vld [tilespmem:s1+$0xCF40];
	_ =	sdelay $0x4  }
0x198: {  	v3 =	vunpack.i.l.bf16.f32 v2  }
0x199: {  	v2 =	vunpack.i.u.bf16.f32 v2;
	[tilespmem:s22+$0x30] =	vst v3  }
0x19a: {  	[tilespmem:s22+$0x40] =	vst v2  }
0x19b: {  	v2 =	vld [tilespmem:s1+$0xCF50];
	_ =	sdelay $0x4  }
0x19c: {  	v3 =	vunpack.i.l.bf16.f32 v2  }
0x19d: {  	v2 =	vunpack.i.u.bf16.f32 v2;
	[tilespmem:s22+$0x50] =	vst v3  }
0x19e: {  	[tilespmem:s22+$0x60] =	vst v2  }
0x19f: {  	s6 =	simm.s32 $0x280;
	s5 =	simm.s32 $0x10650;
	v2 =	vld [tilespmem:s1+$0xCF60]  }
.LBB2_17:
0x1a0: {  	_ =	sdelay $0x2  }
0x1a1: {  	p1 =	sne.s32 s6, $0x3C00  }
0x1a2: {  	s22 =	sadd.s32 $0x190, s22;
	s8 =	smov.u32 s6;
	s6 =	sadd.s32 $0x280, s6;
	v3 =	vunpack.i.u.bf16.f32 v2;
	v2 =	vunpack.i.l.bf16.f32 v2  }
0x1a3: {  	[tilespmem:s5+$0x80] =	vst v2  }
0x1a4: {  	[tilespmem:s5+$0x90] =	vst v3  }
0x1a5: {  	v2 =	vld [tilespmem:s1+$0xCF70];
	_ =	sdelay $0x4  }
0x1a6: {  	v3 =	vunpack.i.u.bf16.f32 v2;
	v2 =	vunpack.i.l.bf16.f32 v2  }
0x1a7: {  	[tilespmem:s5+$0xA0] =	vst v2  }
0x1a8: {  	s1 =	sshra.s32 s8, $0x2;
	[tilespmem:s5+$0xB0] =	vst v3;
	s5 =	smov.u32 s22  }
0x1a9: {  	v2 =	vld [tilespmem:s1+$0xCEE0];
	_ =	sdelay $0x4  }
0x1aa: {  	v3 =	vunpack.i.u.bf16.f32 v2;
	v2 =	vunpack.i.l.bf16.f32 v2  }
0x1ab: {  	[tilespmem:s22+$0xFFFFFF40] =	vst v2  }
0x1ac: {  	[tilespmem:s22+$0xFFFFFF50] =	vst v3  }
0x1ad: {  	v2 =	vld [tilespmem:s1+$0xCEF0];
	_ =	sdelay $0x4  }
0x1ae: {  	v3 =	vunpack.i.u.bf16.f32 v2;
	v2 =	vunpack.i.l.bf16.f32 v2  }
0x1af: {  	[tilespmem:s22+$0xFFFFFF60] =	vst v2  }
0x1b0: {  	[tilespmem:s22+$0xFFFFFF70] =	vst v3  }
0x1b1: {  	v2 =	vld [tilespmem:s1+$0xCF00];
	_ =	sdelay $0x4  }
0x1b2: {  	v3 =	vunpack.i.u.bf16.f32 v2;
	v2 =	vunpack.i.l.bf16.f32 v2  }
0x1b3: {  	[tilespmem:s22+$0xFFFFFF90] =	vst v2  }
0x1b4: {  	[tilespmem:s22+$0xFFFFFFA0] =	vst v3  }
0x1b5: {  	v2 =	vld [tilespmem:s1+$0xCF10];
	_ =	sdelay $0x4  }
0x1b6: {  	v3 =	vunpack.i.u.bf16.f32 v2;
	v2 =	vunpack.i.l.bf16.f32 v2  }
0x1b7: {  	[tilespmem:s22+$0xFFFFFFB0] =	vst v2  }
0x1b8: {  	[tilespmem:s22+$0xFFFFFFC0] =	vst v3  }
0x1b9: {  	v2 =	vld [tilespmem:s1+$0xCF20];
	_ =	sdelay $0x4  }
0x1ba: {  	v3 =	vunpack.i.u.bf16.f32 v2;
	v2 =	vunpack.i.l.bf16.f32 v2  }
0x1bb: {  	[tilespmem:s22+$0xFFFFFFE0] =	vst v2  }
0x1bc: {  	[tilespmem:s22+$0xFFFFFFF0] =	vst v3  }
0x1bd: {  	v2 =	vld [tilespmem:s1+$0xCF30];
	_ =	sdelay $0x4  }
0x1be: {  	v3 =	vunpack.i.u.bf16.f32 v2;
	v2 =	vunpack.i.l.bf16.f32 v2  }
0x1bf: {  	[tilespmem:s22+$0x0] =	vst v2  }
0x1c0: {  	[tilespmem:s22+$0x10] =	vst v3  }
0x1c1: {  	v2 =	vld [tilespmem:s1+$0xCF40];
	_ =	sdelay $0x4  }
0x1c2: {  	v3 =	vunpack.i.u.bf16.f32 v2;
	v2 =	vunpack.i.l.bf16.f32 v2  }
0x1c3: {  	[tilespmem:s22+$0x30] =	vst v2  }
0x1c4: {  	[tilespmem:s22+$0x40] =	vst v3  }
0x1c5: {  	v2 =	vld [tilespmem:s1+$0xCF50];
	_ =	sdelay $0x3  }
.Ltmp10:
0x1c6: {  	(pc) =	sbr.rel @p1 .LBB2_17-.Ltmp10, $4  }
0x1c7: {  	v3 =	vunpack.i.u.bf16.f32 v2;
	v2 =	vunpack.i.l.bf16.f32 v2  }
0x1c8: {  	[tilespmem:s22+$0x50] =	vst v2  }
0x1c9: {  	[tilespmem:s22+$0x60] =	vst v3  }
0x1ca: {  	v2 =	vld [tilespmem:s1+$0xCF60]  }
0x1cb: {  	_ =	sdelay $0x3  }
0x1cc: {  	v3 =	vunpack.i.l.bf16.f32 v2  }
0x1cd: {  	v2 =	vunpack.i.u.bf16.f32 v2;
	[tilespmem:s5+$0x80] =	vst v3  }
0x1ce: {  	[tilespmem:s5+$0x90] =	vst v2  }
0x1cf: {  	v2 =	vld [tilespmem:s1+$0xCF70];
	_ =	sdelay $0x3  }
.Ltmp11:
0x1d0: {  	_ = 	snop;
	(pc) =	sbr.rel @p0 .LBB2_20-.Ltmp11, $4  }
0x1d1: {  	v3 =	vunpack.i.l.bf16.f32 v2  }
0x1d2: {  	v2 =	vunpack.i.u.bf16.f32 v2;
	[tilespmem:s5+$0xA0] =	vst v3  }
0x1d3: {  	s23 =	sadd.s32 $0x5180, s21;
	[tilespmem:s5+$0xB0] =	vst v2  }
0x1d4: {  	[spmem:s2] =	stream.indirect.scatter.add.f32 [tilespmem:s30], [sflag:$0x6], $0x50, s23, s17, $0xb8;
	[tilespmem:$0x1F040] =	vst v63  }
.Ltmp12:
0x1d5: {  	(pc) =	sbr.rel .LBB2_6-.Ltmp12, $3  }
0x1d6: {  	_ =	sdelay $0x1  }
0x1d7: {  	s1 =	sadd.s32 $0x380, s21;
	s20 =	sadd.s32 $0x1, s20  }
0x1d8: {  	[tilespmem:s24], [sflag:$0x4] =	stream.indirect.gather [hbm4b:s4+s17], $0x20, s1, s17, $0xb8;
	[tilespmem:$0x1F040] =	vst v63  }
.LBB2_21:
0x1d9: {  	_ =	sfence.sel $0x180000  }
0x1da: {  	[bflag:$0x0] =	sbarrier.arrive $0xFFFF  }
0x1db: {  	_ =	strace $0x90000047  }
0x1dc: {  	s0 =	stileid.u32;
	[bflag:$0x2] =	sbarrier.arrive $0xFFFF  }
0x1dd: {  	p0 =	sne.s32 s0, $0x0;
	s0 =	rddreg [dreg:$0x3]  }
0x1de: {  	s0 =	sadd.s32 @!p0 $0x100000, s0  }
0x1df: {  	[sflag:s0] =	ssyncadd.tile.s32 @!p0 $0x1;
	_ =	shalt  }
.Lfunc_end2:
_tile_overlayer_lowered:
.L_overlay_start_2:
0x1e0: {  	(tag) =	ssettag $0x2  }
0x1e1: {  	s0 =	rddreg [dreg:$0x0];
	s2 =	stileid.u32  }
0x1e2: {  	s1 =	rddreg [dreg:$0x1];
	p0 =	sne.s32 s2, $0x0  }
0x1e3: {  	s3 =	rddreg [dreg:$0x2];
	[bflag:$0x3] =	sbarrier.arrive $0xFFFF;
	s2 =	simm.s32 @!p0 $0x1C07  }
0x1e4: {  	[timem:s3], [sflag:s2] =	dma.local @!p0 [hbm:s0], s1  }
0x1e5: {  	s0 =	simm.s32 @!p0 $0x7  }
0x1e6: {  	_ =	swait.ge @!p0 [sflag:s0], s1  }
0x1e7: {  	s1 =	ssub.s32 @!p0 $0x0, s1;
	[sflag:s0] =	ssyncset.done @!p0 $0x0  }
0x1e8: {  	[sflag:s0] =	ssyncadd.s32 @!p0 s1  }
0x1e9: {  	[bflag:$0x3] =	sbarrier.arrive $0xFFFF  }
0x1ea: {  	_ =	shalt  }

</sc_bundles>
